<compile_context>
chip_gen: v7x
topology: tpu7x:2x2x1
jax: 0.10.2.dev20260603
libtpu: 0.0.44.dev20260713+nightly
codegen_flags: <defaults>
</compile_context>

<pallas_src>
import functools

import jax
import jax.numpy as jnp
from jax import lax
from jax.experimental import pallas as pl
from jax.experimental.pallas import tpu as pltpu
from jax.experimental.pallas import tpu_sc as plsc

_N = 10000
_E = 320000
_CH = 128
_NC = 2
_NS = 16
_NW = _NC * _NS
_EPW = _E // _NW
_K = 128
_EPWP = 10240
_NCHUNK = _EPWP // _K
_CB = 8
_NP = 10240
_RPT = _NP // _NS
_NH = 640
_REP = 64


def _sc_gs_body(tab_hbm, row_hbm, col_hbm, zeros_hbm, out_hbm,
                row_v, col_b, rows_a, rows_b, acc, gsa, gsb, ssa, ssb):
    rpt = acc.shape[0] // _NS
    core = lax.axis_index("c")
    sid = lax.axis_index("s")
    wid = sid * _NC + core
    pltpu.sync_copy(row_hbm.at[wid], row_v)
    pltpu.sync_copy(zeros_hbm.at[pl.ds(sid * rpt, rpt)],
                    acc.at[pl.ds(sid * rpt, rpt)])
    plsc.subcore_barrier()

    def block(q, carry):
        pltpu.sync_copy(col_hbm.at[wid, pl.ds(_CB * q, _CB)], col_b)
        for pp in range(_CB // 2):
            c0 = _CB * q + 2 * pp
            dg0 = pltpu.async_copy(tab_hbm.at[row_v.at[c0]], rows_a, gsa)
            dg1 = pltpu.async_copy(tab_hbm.at[row_v.at[c0 + 1]], rows_b, gsb)
            dg0.wait()
            dg1.wait()
            ds0 = pltpu.async_copy(rows_a, acc.at[col_b.at[2 * pp]], ssa,
                                   add=True)
            ds1 = pltpu.async_copy(rows_b, acc.at[col_b.at[2 * pp + 1]], ssb,
                                   add=True)
            ds0.wait()
            ds1.wait()
        return carry

    lax.fori_loop(0, _NCHUNK // _CB, block, 0)
    plsc.subcore_barrier()
    pltpu.sync_copy(acc.at[pl.ds(sid * rpt, rpt)],
                    out_hbm.at[core, pl.ds(sid * rpt, rpt)])


@functools.partial(jax.jit, static_argnums=(4,))
def _sc_gather_scatter(tab, row3, col3, zeros, n_acc):
    mesh = plsc.VectorSubcoreMesh(core_axis_name="c", subcore_axis_name="s")
    return pl.kernel(
        _sc_gs_body,
        out_type=jax.ShapeDtypeStruct((_NC, n_acc, _CH), jnp.float32),
        mesh=mesh,
        scratch_types=[
            pltpu.VMEM((_NCHUNK, _K), jnp.int32),
            pltpu.VMEM((_CB, _K), jnp.int32),
            pltpu.VMEM((_K, _CH), jnp.float32),
            pltpu.VMEM((_K, _CH), jnp.float32),
            pltpu.VMEM_SHARED((n_acc, _CH), jnp.float32),
            pltpu.SemaphoreType.DMA,
            pltpu.SemaphoreType.DMA,
            pltpu.SemaphoreType.DMA,
            pltpu.SemaphoreType.DMA,
        ],
    )(tab, row3, col3, zeros)


def _tc_xw_body(state_ref, w_ref, xw_ref):
    xw_ref[...] = jnp.dot(state_ref[...], w_ref[...],
                          preferred_element_type=jnp.float32)


@jax.jit
def _tc_xw(state, conv_W):
    grid = 25
    rb = _N // grid
    return pl.pallas_call(
        _tc_xw_body,
        grid=(grid,),
        in_specs=[
            pl.BlockSpec((rb, _CH), lambda i: (i, 0)),
            pl.BlockSpec((_CH, _CH), lambda i: (0, 0)),
        ],
        out_specs=pl.BlockSpec((rb, _CH), lambda i: (i, 0)),
        out_shape=jax.ShapeDtypeStruct((_N, _CH), jnp.float32),
    )(state, conv_W)


def _tc_xs_body(xw_ref, h0_ref, h1_ref, xs_ref, dis_ref):
    deg = h0_ref[...] + h1_ref[...] + 1.0
    dis = lax.rsqrt(deg)
    xs_ref[...] = dis * xw_ref[...]
    dis_ref[...] = dis


@jax.jit
def _tc_xs(xw, h0, h1):
    grid = 25
    rb = _N // grid
    return pl.pallas_call(
        _tc_xs_body,
        grid=(grid,),
        in_specs=[
            pl.BlockSpec((rb, _CH), lambda i: (i, 0)),
            pl.BlockSpec((rb, 1), lambda i: (i, 0)),
            pl.BlockSpec((rb, 1), lambda i: (i, 0)),
        ],
        out_specs=[
            pl.BlockSpec((rb, _CH), lambda i: (i, 0)),
            pl.BlockSpec((rb, 1), lambda i: (i, 0)),
        ],
        out_shape=[
            jax.ShapeDtypeStruct((_N, _CH), jnp.float32),
            jax.ShapeDtypeStruct((_N, 1), jnp.float32),
        ],
    )(xw, h0, h1)


def _tc_final_body(a0_ref, a1_ref, xs_ref, dis_ref, state_ref, cb_ref, s_ref,
                   w1_ref, b1_ref, w2_ref, b2_ref, w3_ref, b3_ref, out_ref):
    conv = dis_ref[...] * (a0_ref[...] + a1_ref[...] + xs_ref[...]) + cb_ref[...]
    h = jnp.maximum(conv, 0.0) + state_ref[...]
    g = jnp.dot(s_ref[...], h, preferred_element_type=jnp.float32)
    z = jnp.maximum(jnp.dot(g, w1_ref[...], preferred_element_type=jnp.float32)
                    + b1_ref[...], 0.0)
    z = jnp.maximum(jnp.dot(z, w2_ref[...], preferred_element_type=jnp.float32)
                    + b2_ref[...], 0.0)
    y = jnp.dot(z, w3_ref[...], preferred_element_type=jnp.float32) + b3_ref[...]
    out_ref[...] = jnp.broadcast_to(y[None], out_ref.shape)


@jax.jit
def _tc_final(a0, a1, xs, dis, state, conv_b, sel,
              lin1_W, lin1_b, lin2_W, lin2_b, lin3_W, lin3_b):
    grid = 25
    rb = _N // grid
    gb = rb // 16
    full = lambda shape: pl.BlockSpec(shape, lambda i: tuple(0 for _ in shape))
    return pl.pallas_call(
        _tc_final_body,
        grid=(grid,),
        in_specs=[
            pl.BlockSpec((rb, _CH), lambda i: (i, 0)),
            pl.BlockSpec((rb, _CH), lambda i: (i, 0)),
            pl.BlockSpec((rb, _CH), lambda i: (i, 0)),
            pl.BlockSpec((rb, 1), lambda i: (i, 0)),
            pl.BlockSpec((rb, _CH), lambda i: (i, 0)),
            full((1, _CH)),
            full((gb, rb)),
            full((_CH, 64)),
            full((1, 64)),
            full((64, 64)),
            full((1, 64)),
            full((64, 1)),
            full((1, 1)),
        ],
        out_specs=pl.BlockSpec((1, gb, _CH), lambda i: (i, 0, 0)),
        out_shape=jax.ShapeDtypeStruct((grid, gb, _CH), jnp.float32),
    )(a0, a1, xs, dis, state, conv_b, sel,
      lin1_W, lin1_b, lin2_W, lin2_b, lin3_W, lin3_b)


def kernel(state, edge_index, conv_W, conv_b, lin1_W, lin1_b, lin2_W, lin2_b,
           lin3_W, lin3_b):
    npad = _NW * _EPWP - _E
    arp = jnp.arange(npad, dtype=jnp.int32)
    row = jnp.concatenate([edge_index[0].astype(jnp.int32), (arp * 7) % _N])
    col = edge_index[1].astype(jnp.int32)
    row32 = row.reshape(_NW, _NCHUNK, _K)
    col32 = jnp.concatenate([col, _N + (arp % (_NP - _N))]).reshape(
        _NW, _NCHUNK, _K)
    zeros = jnp.zeros((_NP, _CH), jnp.float32)

    ar = jnp.arange(_E, dtype=jnp.int32)
    hrow = jnp.concatenate([(col & 15) * _REP + (ar % _REP),
                            arp % (16 * _REP)]).reshape(_NW, _NCHUNK, _K)
    hcol = jnp.concatenate([col >> 4,
                            625 + (arp % (_NH - 625))]).reshape(
        _NW, _NCHUNK, _K)
    m = jnp.arange(16 * _REP, dtype=jnp.int32)
    onehot = jnp.zeros((16 * _REP, _CH), jnp.float32).at[m, 8 * (m // _REP)].set(1.0)
    zeros_h = jnp.zeros((_NH, _CH), jnp.float32)
    hist = _sc_gather_scatter(onehot, hrow, hcol, zeros_h, _NH)
    h0 = hist[0].reshape(_NH, 16, 8)[:, :, 0].reshape(-1, 1)[:_N]
    h1 = hist[1].reshape(_NH, 16, 8)[:, :, 0].reshape(-1, 1)[:_N]

    xw = _tc_xw(state, conv_W)
    xs, dis = _tc_xs(xw, h0, h1)
    acc = _sc_gather_scatter(xs, row32, col32, zeros, _NP)

    sel = (jnp.arange(25)[:, None] == (jnp.arange(400) // 16)[None, :]
           ).astype(jnp.float32)
    out3d = _tc_final(acc[0, :_N], acc[1, :_N], xs, dis, state,
                      conv_b.reshape(1, _CH), sel, lin1_W,
                      lin1_b.reshape(1, 64), lin2_W, lin2_b.reshape(1, 64),
                      lin3_W, lin3_b.reshape(1, 1))
    return out3d.reshape(_N // 16, _CH)[:, 0]

# --- scband reference (transcript-rebuilt; emitter-appended) ---
"""Pipeline reference for scband-vf-1752346657369 (READ-ONLY COPY).

The authoritative reference and input builder live on the scoring server;
editing this copy changes nothing except your own understanding.
"""

import jax, jax.numpy as jnp
import numpy as np

N = 10000
E = 320000
IN_CH = 128
HID = 64
ACT_DIM = 16


def setup_inputs(seed: int = 0) -> dict:
    key = jax.random.key(seed)
    ks = jax.random.split(key, 12)
    state = jax.random.normal(ks[0], (N, IN_CH), dtype=jnp.float32)
    edge_index = jax.random.randint(ks[1], (2, E), 0, N, dtype=jnp.int64)
    # GCNConv weight/bias (in_channels -> in_channels)
    conv_W = jax.random.normal(ks[2], (IN_CH, IN_CH), dtype=jnp.float32) * (1.0 / np.sqrt(IN_CH))
    conv_b = jnp.zeros((IN_CH,), dtype=jnp.float32)
    lin1_W = jax.random.normal(ks[3], (IN_CH, HID), dtype=jnp.float32) * (1.0 / np.sqrt(IN_CH))
    lin1_b = jax.random.normal(ks[4], (HID,), dtype=jnp.float32) * 0.01
    lin2_W = jax.random.normal(ks[5], (HID, HID), dtype=jnp.float32) * (1.0 / np.sqrt(HID))
    lin2_b = jax.random.normal(ks[6], (HID,), dtype=jnp.float32) * 0.01
    lin3_W = jax.random.normal(ks[7], (HID, 1), dtype=jnp.float32) * (1.0 / np.sqrt(HID))
    lin3_b = jax.random.normal(ks[8], (1,), dtype=jnp.float32) * 0.01
    return {
        "state": state,
        "edge_index": edge_index,
        "conv_W": conv_W,
        "conv_b": conv_b,
        "lin1_W": lin1_W,
        "lin1_b": lin1_b,
        "lin2_W": lin2_W,
        "lin2_b": lin2_b,
        "lin3_W": lin3_W,
        "lin3_b": lin3_b,
    }


def _gcn_conv(x, edge_index, W, b):
    # PyG GCNConv: add self-loops, symmetric normalization, aggregate at dst (col)
    n = x.shape[0]
    xw = x @ W
    loops = jnp.arange(n, dtype=edge_index.dtype)
    row = jnp.concatenate([edge_index[0], loops])
    col = jnp.concatenate([edge_index[1], loops])
    ew = jnp.ones(row.shape[0], dtype=x.dtype)
    deg = jnp.zeros((n,), dtype=x.dtype).at[col].add(ew)
    deg_inv_sqrt = jnp.where(deg > 0, 1.0 / jnp.sqrt(deg), 0.0)
    norm = deg_inv_sqrt[row] * ew * deg_inv_sqrt[col]
    msgs = norm[:, None] * xw[row]
    out = jnp.zeros((n, W.shape[1]), dtype=x.dtype).at[col].add(msgs)
    return out + b


def reference(state, edge_index, conv_W, conv_b, lin1_W, lin1_b, lin2_W, lin2_b, lin3_W, lin3_b):
    out = jax.nn.relu(_gcn_conv(state, edge_index, conv_W, conv_b))
    x = out + state
    x = x.reshape(-1, ACT_DIM, IN_CH)
    x = jnp.sum(x, axis=1)
    x = jax.nn.relu(x @ lin1_W + lin1_b)
    x = jax.nn.relu(x @ lin2_W + lin2_b)
    x = (x @ lin3_W + lin3_b).squeeze(-1)
    return x

if __name__ == "__main__":
    import jax
    _d = setup_inputs()
    print(jax.jit(kernel)(*tuple(_d.values())))

</pallas_src>

<mosaic_0001>
#map = affine_map<(d0, d1) -> (0, 0)>
#map1 = affine_map<(d0, d1) -> (0, 0, 0)>
module attributes {stable_mosaic.version = 14 : i64} {
  func.func @_sc_gs_body(%arg0: i32, %arg1: i32, %arg2: memref<1024x128xf32, #tpu.memory_space<hbm>>, %arg3: memref<32x80x128xi32, #tpu.memory_space<hbm>>, %arg4: memref<32x80x128xi32, #tpu.memory_space<hbm>>, %arg5: memref<640x128xf32, #tpu.memory_space<hbm>>, %arg6: memref<2x640x128xf32, #tpu.memory_space<hbm>>, %arg7: memref<80x128xi32, #tpu.memory_space<vmem>>, %arg8: memref<8x128xi32, #tpu.memory_space<vmem>>, %arg9: memref<128x128xf32, #tpu.memory_space<vmem>>, %arg10: memref<128x128xf32, #tpu.memory_space<vmem>>, %arg11: memref<640x128xf32, #tpu.memory_space<vmem_shared>>, %arg12: memref<!tpu.dma_semaphore, #tpu.memory_space<semaphore_mem>>, %arg13: memref<!tpu.dma_semaphore, #tpu.memory_space<semaphore_mem>>, %arg14: memref<!tpu.dma_semaphore, #tpu.memory_space<semaphore_mem>>, %arg15: memref<!tpu.dma_semaphore, #tpu.memory_space<semaphore_mem>>) attributes {dimension_semantics = [#tpu.dimension_semantics<core_parallel>, #tpu.dimension_semantics<subcore_parallel>], iteration_bounds = array<i64: 2, 16>, scalar_prefetch = 0 : i64, scratch_operands = 9 : i64, tpu.core_type = #tpu.core_type<sc_vector_subcore>, window_params = [{transform_indices = #map}, {transform_indices = #map1}, {transform_indices = #map1}, {transform_indices = #map}, {transform_indices = #map1}]} {
    %mul3A = arith.constant 2 : i32
    %mul3A_0 = arith.muli %arg1, %mul3A : i32
    %add3A = arith.addi %mul3A_0, %arg0 : i32
    "tpu.region"() ({
      %run_scoped3A = tpu.sem_alloc : memref<!tpu.dma_semaphore, #tpu.memory_space<semaphore_mem>>
      %dma_start3A = arith.constant 0 : i32
      %dma_start3A_15 = arith.constant 0 : i32
      %dma_start3A_16 = tpu.memref_slice %arg3[%add3A, %dma_start3A, %dma_start3A_15] : memref<32x80x128xi32, #tpu.memory_space<hbm>> -> memref<1x80x128xi32, #tpu.memory_space<hbm>>
      %dma_start3A_17 = tpu.memref_squeeze %dma_start3A_16 : memref<1x80x128xi32, #tpu.memory_space<hbm>> -> memref<80x128xi32, #tpu.memory_space<hbm>>
      %dma_start3A_18 = arith.constant 0 : i32
      %dma_start3A_19 = arith.constant 0 : i32
      %dma_start3A_20 = tpu.memref_slice %arg3[%add3A, %dma_start3A_18, %dma_start3A_19] : memref<32x80x128xi32, #tpu.memory_space<hbm>> -> memref<1x80x128xi32, #tpu.memory_space<hbm>>
      %dma_start3A_21 = tpu.memref_squeeze %dma_start3A_20 : memref<1x80x128xi32, #tpu.memory_space<hbm>> -> memref<80x128xi32, #tpu.memory_space<hbm>>
      tpu.enqueue_dma source(%dma_start3A_21 : memref<80x128xi32, #tpu.memory_space<hbm>>) target(%arg7 : memref<80x128xi32, #tpu.memory_space<vmem>>) target_semaphore(%run_scoped3A : memref<!tpu.dma_semaphore, #tpu.memory_space<semaphore_mem>>)
      %dma_wait3A = arith.constant 0 : i32
      %dma_wait3A_22 = arith.constant 0 : i32
      %dma_wait3A_23 = tpu.memref_slice %arg3[%add3A, %dma_wait3A, %dma_wait3A_22] : memref<32x80x128xi32, #tpu.memory_space<hbm>> -> memref<1x80x128xi32, #tpu.memory_space<hbm>>
      %dma_wait3A_24 = tpu.memref_squeeze %dma_wait3A_23 : memref<1x80x128xi32, #tpu.memory_space<hbm>> -> memref<80x128xi32, #tpu.memory_space<hbm>>
      %dma_wait3A_25 = arith.constant 0 : i32
      %dma_wait3A_26 = arith.constant 0 : i32
      %dma_wait3A_27 = tpu.memref_slice %arg3[%add3A, %dma_wait3A_25, %dma_wait3A_26] : memref<32x80x128xi32, #tpu.memory_space<hbm>> -> memref<1x80x128xi32, #tpu.memory_space<hbm>>
      %dma_wait3A_28 = tpu.memref_squeeze %dma_wait3A_27 : memref<1x80x128xi32, #tpu.memory_space<hbm>> -> memref<80x128xi32, #tpu.memory_space<hbm>>
      tpu.wait_dma2 semaphore(%run_scoped3A : memref<!tpu.dma_semaphore, #tpu.memory_space<semaphore_mem>>) src(%dma_wait3A_28 : memref<80x128xi32, #tpu.memory_space<hbm>>) dst(%arg7 : memref<80x128xi32, #tpu.memory_space<vmem>>)
      tpu.yield
    }) : () -> ()
    %mul3A_1 = arith.constant 40 : i32
    %mul3A_2 = arith.muli %arg1, %mul3A_1 : i32
    %mul3A_3 = arith.constant 40 : i32
    %mul3A_4 = arith.muli %arg1, %mul3A_3 : i32
    "tpu.region"() ({
      %run_scoped3A = tpu.sem_alloc : memref<!tpu.dma_semaphore, #tpu.memory_space<semaphore_mem>>
      %dma_start3A = arith.constant 0 : i32
      %dma_start3A_15 = tpu.memref_slice %arg11[%mul3A_4, %dma_start3A] : memref<640x128xf32, #tpu.memory_space<vmem_shared>> -> memref<40x128xf32, #tpu.memory_space<vmem_shared>>
      %dma_start3A_16 = arith.constant 0 : i32
      %dma_start3A_17 = tpu.memref_slice %arg5[%mul3A_2, %dma_start3A_16] : memref<640x128xf32, #tpu.memory_space<hbm>> -> memref<40x128xf32, #tpu.memory_space<hbm>>
      tpu.enqueue_dma source(%dma_start3A_17 : memref<40x128xf32, #tpu.memory_space<hbm>>) target(%dma_start3A_15 : memref<40x128xf32, #tpu.memory_space<vmem_shared>>) target_semaphore(%run_scoped3A : memref<!tpu.dma_semaphore, #tpu.memory_space<semaphore_mem>>)
      %dma_wait3A = arith.constant 0 : i32
      %dma_wait3A_18 = tpu.memref_slice %arg11[%mul3A_4, %dma_wait3A] : memref<640x128xf32, #tpu.memory_space<vmem_shared>> -> memref<40x128xf32, #tpu.memory_space<vmem_shared>>
      %dma_wait3A_19 = arith.constant 0 : i32
      %dma_wait3A_20 = tpu.memref_slice %arg5[%mul3A_2, %dma_wait3A_19] : memref<640x128xf32, #tpu.memory_space<hbm>> -> memref<40x128xf32, #tpu.memory_space<hbm>>
      tpu.wait_dma2 semaphore(%run_scoped3A : memref<!tpu.dma_semaphore, #tpu.memory_space<semaphore_mem>>) src(%dma_wait3A_20 : memref<40x128xf32, #tpu.memory_space<hbm>>) dst(%dma_wait3A_18 : memref<40x128xf32, #tpu.memory_space<vmem_shared>>)
      tpu.yield
    }) : () -> ()
    %barrier3A = arith.constant 0 : index
    tpu.barrier barrier_id(%barrier3A)
    %scan3A = arith.constant 0 : i32
    %scan3A_5 = arith.constant 0 : i32
    %scan3A_6 = arith.constant 10 : i32
    %scan3A_7 = arith.addi %scan3A_5, %scan3A_6 : i32
    %scan3A_8 = arith.constant 1 : i32
    scf.for %scan3A_15 = %scan3A_5 to %scan3A_7 step %scan3A_8  : i32 {
      %mul3A_16 = arith.constant 8 : i32
      %mul3A_17 = arith.muli %mul3A_16, %scan3A_15 : i32
      "tpu.region"() ({
        %run_scoped3A = tpu.sem_alloc : memref<!tpu.dma_semaphore, #tpu.memory_space<semaphore_mem>>
        %dma_start3A_248 = arith.constant 0 : i32
        %dma_start3A_249 = tpu.memref_slice %arg4[%add3A, %mul3A_17, %dma_start3A_248] : memref<32x80x128xi32, #tpu.memory_space<hbm>> -> memref<1x8x128xi32, #tpu.memory_space<hbm>>
        %dma_start3A_250 = tpu.memref_squeeze %dma_start3A_249 : memref<1x8x128xi32, #tpu.memory_space<hbm>> -> memref<8x128xi32, #tpu.memory_space<hbm>>
        %dma_start3A_251 = arith.constant 0 : i32
        %dma_start3A_252 = tpu.memref_slice %arg4[%add3A, %mul3A_17, %dma_start3A_251] : memref<32x80x128xi32, #tpu.memory_space<hbm>> -> memref<1x8x128xi32, #tpu.memory_space<hbm>>
        %dma_start3A_253 = tpu.memref_squeeze %dma_start3A_252 : memref<1x8x128xi32, #tpu.memory_space<hbm>> -> memref<8x128xi32, #tpu.memory_space<hbm>>
        tpu.enqueue_dma source(%dma_start3A_253 : memref<8x128xi32, #tpu.memory_space<hbm>>) target(%arg8 : memref<8x128xi32, #tpu.memory_space<vmem>>) target_semaphore(%run_scoped3A : memref<!tpu.dma_semaphore, #tpu.memory_space<semaphore_mem>>)
        %dma_wait3A_254 = arith.constant 0 : i32
        %dma_wait3A_255 = tpu.memref_slice %arg4[%add3A, %mul3A_17, %dma_wait3A_254] : memref<32x80x128xi32, #tpu.memory_space<hbm>> -> memref<1x8x128xi32, #tpu.memory_space<hbm>>
        %dma_wait3A_256 = tpu.memref_squeeze %dma_wait3A_255 : memref<1x8x128xi32, #tpu.memory_space<hbm>> -> memref<8x128xi32, #tpu.memory_space<hbm>>
        %dma_wait3A_257 = arith.constant 0 : i32
        %dma_wait3A_258 = tpu.memref_slice %arg4[%add3A, %mul3A_17, %dma_wait3A_257] : memref<32x80x128xi32, #tpu.memory_space<hbm>> -> memref<1x8x128xi32, #tpu.memory_space<hbm>>
        %dma_wait3A_259 = tpu.memref_squeeze %dma_wait3A_258 : memref<1x8x128xi32, #tpu.memory_space<hbm>> -> memref<8x128xi32, #tpu.memory_space<hbm>>
        tpu.wait_dma2 semaphore(%run_scoped3A : memref<!tpu.dma_semaphore, #tpu.memory_space<semaphore_mem>>) src(%dma_wait3A_259 : memref<8x128xi32, #tpu.memory_space<hbm>>) dst(%arg8 : memref<8x128xi32, #tpu.memory_space<vmem>>)
        tpu.yield
      }) : () -> ()
      %mul3A_18 = arith.constant 8 : i32
      %mul3A_19 = arith.muli %mul3A_18, %scan3A_15 : i32
      %add3A_20 = arith.constant 0 : i32
      %add3A_21 = arith.addi %mul3A_19, %add3A_20 : i32
      %dma_start3A = arith.constant 0 : i32
      %dma_start3A_22 = tpu.memref_slice %arg7[%add3A_21, %dma_start3A] : memref<80x128xi32, #tpu.memory_space<vmem>> -> memref<1x128xi32, #tpu.memory_space<vmem>>
      %dma_start3A_23 = tpu.memref_squeeze %dma_start3A_22 : memref<1x128xi32, #tpu.memory_space<vmem>> -> memref<128xi32, #tpu.memory_space<vmem>>
      %dma_start3A_24 = arith.constant 0 : i32
      %dma_start3A_25 = arith.constant 0 : i32
      %dma_start3A_26 = tpu.memref_slice %arg2[%dma_start3A_24, %dma_start3A_25] : memref<1024x128xf32, #tpu.memory_space<hbm>> -> memref<1024x128xf32, #tpu.memory_space<hbm>>
      tpu.enqueue_indirect_dma source(%dma_start3A_26 : memref<1024x128xf32, #tpu.memory_space<hbm>>) target(%arg9 : memref<128x128xf32, #tpu.memory_space<vmem>>) offsets(%dma_start3A_23 : memref<128xi32, #tpu.memory_space<vmem>>) semaphore(%arg12 : memref<!tpu.dma_semaphore, #tpu.memory_space<semaphore_mem>>)
      %add3A_27 = arith.constant 1 : i32
      %add3A_28 = arith.addi %add3A_21, %add3A_27 : i32
      %dma_start3A_29 = arith.constant 0 : i32
      %dma_start3A_30 = tpu.memref_slice %arg7[%add3A_28, %dma_start3A_29] : memref<80x128xi32, #tpu.memory_space<vmem>> -> memref<1x128xi32, #tpu.memory_space<vmem>>
      %dma_start3A_31 = tpu.memref_squeeze %dma_start3A_30 : memref<1x128xi32, #tpu.memory_space<vmem>> -> memref<128xi32, #tpu.memory_space<vmem>>
      %dma_start3A_32 = arith.constant 0 : i32
      %dma_start3A_33 = arith.constant 0 : i32
      %dma_start3A_34 = tpu.memref_slice %arg2[%dma_start3A_32, %dma_start3A_33] : memref<1024x128xf32, #tpu.memory_space<hbm>> -> memref<1024x128xf32, #tpu.memory_space<hbm>>
      tpu.enqueue_indirect_dma source(%dma_start3A_34 : memref<1024x128xf32, #tpu.memory_space<hbm>>) target(%arg10 : memref<128x128xf32, #tpu.memory_space<vmem>>) offsets(%dma_start3A_31 : memref<128xi32, #tpu.memory_space<vmem>>) semaphore(%arg13 : memref<!tpu.dma_semaphore, #tpu.memory_space<semaphore_mem>>)
      %dma_wait3A = arith.constant 0 : i32
      %dma_wait3A_35 = tpu.memref_slice %arg7[%add3A_21, %dma_wait3A] : memref<80x128xi32, #tpu.memory_space<vmem>> -> memref<1x128xi32, #tpu.memory_space<vmem>>
      %dma_wait3A_36 = tpu.memref_squeeze %dma_wait3A_35 : memref<1x128xi32, #tpu.memory_space<vmem>> -> memref<128xi32, #tpu.memory_space<vmem>>
      %dma_wait3A_37 = arith.constant 0 : i32
      %dma_wait3A_38 = arith.constant 0 : i32
      %dma_wait3A_39 = tpu.memref_slice %arg2[%dma_wait3A_37, %dma_wait3A_38] : memref<1024x128xf32, #tpu.memory_space<hbm>> -> memref<1024x128xf32, #tpu.memory_space<hbm>>
      tpu.wait_indirect_dma semaphore(%arg12 : memref<!tpu.dma_semaphore, #tpu.memory_space<semaphore_mem>>) src(%dma_wait3A_39 : memref<1024x128xf32, #tpu.memory_space<hbm>>) dst(%arg9 : memref<128x128xf32, #tpu.memory_space<vmem>>)
      %dma_wait3A_40 = arith.constant 0 : i32
      %dma_wait3A_41 = tpu.memref_slice %arg7[%add3A_28, %dma_wait3A_40] : memref<80x128xi32, #tpu.memory_space<vmem>> -> memref<1x128xi32, #tpu.memory_space<vmem>>
      %dma_wait3A_42 = tpu.memref_squeeze %dma_wait3A_41 : memref<1x128xi32, #tpu.memory_space<vmem>> -> memref<128xi32, #tpu.memory_space<vmem>>
      %dma_wait3A_43 = arith.constant 0 : i32
      %dma_wait3A_44 = arith.constant 0 : i32
      %dma_wait3A_45 = tpu.memref_slice %arg2[%dma_wait3A_43, %dma_wait3A_44] : memref<1024x128xf32, #tpu.memory_space<hbm>> -> memref<1024x128xf32, #tpu.memory_space<hbm>>
      tpu.wait_indirect_dma semaphore(%arg13 : memref<!tpu.dma_semaphore, #tpu.memory_space<semaphore_mem>>) src(%dma_wait3A_45 : memref<1024x128xf32, #tpu.memory_space<hbm>>) dst(%arg10 : memref<128x128xf32, #tpu.memory_space<vmem>>)
      %dma_start3A_46 = arith.constant 0 : i32
      %dma_start3A_47 = arith.constant 0 : i32
      %dma_start3A_48 = tpu.memref_slice %arg8[%dma_start3A_46, %dma_start3A_47] : memref<8x128xi32, #tpu.memory_space<vmem>> -> memref<1x128xi32, #tpu.memory_space<vmem>>
      %dma_start3A_49 = tpu.memref_squeeze %dma_start3A_48 : memref<1x128xi32, #tpu.memory_space<vmem>> -> memref<128xi32, #tpu.memory_space<vmem>>
      %dma_start3A_50 = arith.constant 0 : i32
      %dma_start3A_51 = arith.constant 0 : i32
      %dma_start3A_52 = tpu.memref_slice %arg11[%dma_start3A_50, %dma_start3A_51] : memref<640x128xf32, #tpu.memory_space<vmem_shared>> -> memref<640x128xf32, #tpu.memory_space<vmem_shared>>
      tpu.enqueue_indirect_dma source(%arg9 : memref<128x128xf32, #tpu.memory_space<vmem>>) target(%dma_start3A_52 : memref<640x128xf32, #tpu.memory_space<vmem_shared>>) offsets(%dma_start3A_49 : memref<128xi32, #tpu.memory_space<vmem>>) semaphore(%arg14 : memref<!tpu.dma_semaphore, #tpu.memory_space<semaphore_mem>>) {add = true}
      %dma_start3A_53 = arith.constant 1 : i32
      %dma_start3A_54 = arith.constant 0 : i32
      %dma_start3A_55 = tpu.memref_slice %arg8[%dma_start3A_53, %dma_start3A_54] : memref<8x128xi32, #tpu.memory_space<vmem>> -> memref<1x128xi32, #tpu.memory_space<vmem>>
      %dma_start3A_56 = tpu.memref_squeeze %dma_start3A_55 : memref<1x128xi32, #tpu.memory_space<vmem>> -> memref<128xi32, #tpu.memory_space<vmem>>
      %dma_start3A_57 = arith.constant 0 : i32
      %dma_start3A_58 = arith.constant 0 : i32
      %dma_start3A_59 = tpu.memref_slice %arg11[%dma_start3A_57, %dma_start3A_58] : memref<640x128xf32, #tpu.memory_space<vmem_shared>> -> memref<640x128xf32, #tpu.memory_space<vmem_shared>>
      tpu.enqueue_indirect_dma source(%arg10 : memref<128x128xf32, #tpu.memory_space<vmem>>) target(%dma_start3A_59 : memref<640x128xf32, #tpu.memory_space<vmem_shared>>) offsets(%dma_start3A_56 : memref<128xi32, #tpu.memory_space<vmem>>) semaphore(%arg15 : memref<!tpu.dma_semaphore, #tpu.memory_space<semaphore_mem>>) {add = true}
      %dma_wait3A_60 = arith.constant 0 : i32
      %dma_wait3A_61 = arith.constant 0 : i32
      %dma_wait3A_62 = tpu.memref_slice %arg8[%dma_wait3A_60, %dma_wait3A_61] : memref<8x128xi32, #tpu.memory_space<vmem>> -> memref<1x128xi32, #tpu.memory_space<vmem>>
      %dma_wait3A_63 = tpu.memref_squeeze %dma_wait3A_62 : memref<1x128xi32, #tpu.memory_space<vmem>> -> memref<128xi32, #tpu.memory_space<vmem>>
      %dma_wait3A_64 = arith.constant 0 : i32
      %dma_wait3A_65 = arith.constant 0 : i32
      %dma_wait3A_66 = tpu.memref_slice %arg11[%dma_wait3A_64, %dma_wait3A_65] : memref<640x128xf32, #tpu.memory_space<vmem_shared>> -> memref<640x128xf32, #tpu.memory_space<vmem_shared>>
      tpu.wait_indirect_dma semaphore(%arg14 : memref<!tpu.dma_semaphore, #tpu.memory_space<semaphore_mem>>) src(%arg9 : memref<128x128xf32, #tpu.memory_space<vmem>>) dst(%dma_wait3A_66 : memref<640x128xf32, #tpu.memory_space<vmem_shared>>)
      %dma_wait3A_67 = arith.constant 1 : i32
      %dma_wait3A_68 = arith.constant 0 : i32
      %dma_wait3A_69 = tpu.memref_slice %arg8[%dma_wait3A_67, %dma_wait3A_68] : memref<8x128xi32, #tpu.memory_space<vmem>> -> memref<1x128xi32, #tpu.memory_space<vmem>>
      %dma_wait3A_70 = tpu.memref_squeeze %dma_wait3A_69 : memref<1x128xi32, #tpu.memory_space<vmem>> -> memref<128xi32, #tpu.memory_space<vmem>>
      %dma_wait3A_71 = arith.constant 0 : i32
      %dma_wait3A_72 = arith.constant 0 : i32
      %dma_wait3A_73 = tpu.memref_slice %arg11[%dma_wait3A_71, %dma_wait3A_72] : memref<640x128xf32, #tpu.memory_space<vmem_shared>> -> memref<640x128xf32, #tpu.memory_space<vmem_shared>>
      tpu.wait_indirect_dma semaphore(%arg15 : memref<!tpu.dma_semaphore, #tpu.memory_space<semaphore_mem>>) src(%arg10 : memref<128x128xf32, #tpu.memory_space<vmem>>) dst(%dma_wait3A_73 : memref<640x128xf32, #tpu.memory_space<vmem_shared>>)
      %mul3A_74 = arith.constant 8 : i32
      %mul3A_75 = arith.muli %mul3A_74, %scan3A_15 : i32
      %add3A_76 = arith.constant 2 : i32
      %add3A_77 = arith.addi %mul3A_75, %add3A_76 : i32
      %dma_start3A_78 = arith.constant 0 : i32
      %dma_start3A_79 = tpu.memref_slice %arg7[%add3A_77, %dma_start3A_78] : memref<80x128xi32, #tpu.memory_space<vmem>> -> memref<1x128xi32, #tpu.memory_space<vmem>>
      %dma_start3A_80 = tpu.memref_squeeze %dma_start3A_79 : memref<1x128xi32, #tpu.memory_space<vmem>> -> memref<128xi32, #tpu.memory_space<vmem>>
      %dma_start3A_81 = arith.constant 0 : i32
      %dma_start3A_82 = arith.constant 0 : i32
      %dma_start3A_83 = tpu.memref_slice %arg2[%dma_start3A_81, %dma_start3A_82] : memref<1024x128xf32, #tpu.memory_space<hbm>> -> memref<1024x128xf32, #tpu.memory_space<hbm>>
      tpu.enqueue_indirect_dma source(%dma_start3A_83 : memref<1024x128xf32, #tpu.memory_space<hbm>>) target(%arg9 : memref<128x128xf32, #tpu.memory_space<vmem>>) offsets(%dma_start3A_80 : memref<128xi32, #tpu.memory_space<vmem>>) semaphore(%arg12 : memref<!tpu.dma_semaphore, #tpu.memory_space<semaphore_mem>>)
      %add3A_84 = arith.constant 1 : i32
      %add3A_85 = arith.addi %add3A_77, %add3A_84 : i32
      %dma_start3A_86 = arith.constant 0 : i32
      %dma_start3A_87 = tpu.memref_slice %arg7[%add3A_85, %dma_start3A_86] : memref<80x128xi32, #tpu.memory_space<vmem>> -> memref<1x128xi32, #tpu.memory_space<vmem>>
      %dma_start3A_88 = tpu.memref_squeeze %dma_start3A_87 : memref<1x128xi32, #tpu.memory_space<vmem>> -> memref<128xi32, #tpu.memory_space<vmem>>
      %dma_start3A_89 = arith.constant 0 : i32
      %dma_start3A_90 = arith.constant 0 : i32
      %dma_start3A_91 = tpu.memref_slice %arg2[%dma_start3A_89, %dma_start3A_90] : memref<1024x128xf32, #tpu.memory_space<hbm>> -> memref<1024x128xf32, #tpu.memory_space<hbm>>
      tpu.enqueue_indirect_dma source(%dma_start3A_91 : memref<1024x128xf32, #tpu.memory_space<hbm>>) target(%arg10 : memref<128x128xf32, #tpu.memory_space<vmem>>) offsets(%dma_start3A_88 : memref<128xi32, #tpu.memory_space<vmem>>) semaphore(%arg13 : memref<!tpu.dma_semaphore, #tpu.memory_space<semaphore_mem>>)
      %dma_wait3A_92 = arith.constant 0 : i32
      %dma_wait3A_93 = tpu.memref_slice %arg7[%add3A_77, %dma_wait3A_92] : memref<80x128xi32, #tpu.memory_space<vmem>> -> memref<1x128xi32, #tpu.memory_space<vmem>>
      %dma_wait3A_94 = tpu.memref_squeeze %dma_wait3A_93 : memref<1x128xi32, #tpu.memory_space<vmem>> -> memref<128xi32, #tpu.memory_space<vmem>>
      %dma_wait3A_95 = arith.constant 0 : i32
      %dma_wait3A_96 = arith.constant 0 : i32
      %dma_wait3A_97 = tpu.memref_slice %arg2[%dma_wait3A_95, %dma_wait3A_96] : memref<1024x128xf32, #tpu.memory_space<hbm>> -> memref<1024x128xf32, #tpu.memory_space<hbm>>
      tpu.wait_indirect_dma semaphore(%arg12 : memref<!tpu.dma_semaphore, #tpu.memory_space<semaphore_mem>>) src(%dma_wait3A_97 : memref<1024x128xf32, #tpu.memory_space<hbm>>) dst(%arg9 : memref<128x128xf32, #tpu.memory_space<vmem>>)
      %dma_wait3A_98 = arith.constant 0 : i32
      %dma_wait3A_99 = tpu.memref_slice %arg7[%add3A_85, %dma_wait3A_98] : memref<80x128xi32, #tpu.memory_space<vmem>> -> memref<1x128xi32, #tpu.memory_space<vmem>>
      %dma_wait3A_100 = tpu.memref_squeeze %dma_wait3A_99 : memref<1x128xi32, #tpu.memory_space<vmem>> -> memref<128xi32, #tpu.memory_space<vmem>>
      %dma_wait3A_101 = arith.constant 0 : i32
      %dma_wait3A_102 = arith.constant 0 : i32
      %dma_wait3A_103 = tpu.memref_slice %arg2[%dma_wait3A_101, %dma_wait3A_102] : memref<1024x128xf32, #tpu.memory_space<hbm>> -> memref<1024x128xf32, #tpu.memory_space<hbm>>
      tpu.wait_indirect_dma semaphore(%arg13 : memref<!tpu.dma_semaphore, #tpu.memory_space<semaphore_mem>>) src(%dma_wait3A_103 : memref<1024x128xf32, #tpu.memory_space<hbm>>) dst(%arg10 : memref<128x128xf32, #tpu.memory_space<vmem>>)
      %dma_start3A_104 = arith.constant 2 : i32
      %dma_start3A_105 = arith.constant 0 : i32
      %dma_start3A_106 = tpu.memref_slice %arg8[%dma_start3A_104, %dma_start3A_105] : memref<8x128xi32, #tpu.memory_space<vmem>> -> memref<1x128xi32, #tpu.memory_space<vmem>>
      %dma_start3A_107 = tpu.memref_squeeze %dma_start3A_106 : memref<1x128xi32, #tpu.memory_space<vmem>> -> memref<128xi32, #tpu.memory_space<vmem>>
      %dma_start3A_108 = arith.constant 0 : i32
      %dma_start3A_109 = arith.constant 0 : i32
      %dma_start3A_110 = tpu.memref_slice %arg11[%dma_start3A_108, %dma_start3A_109] : memref<640x128xf32, #tpu.memory_space<vmem_shared>> -> memref<640x128xf32, #tpu.memory_space<vmem_shared>>
      tpu.enqueue_indirect_dma source(%arg9 : memref<128x128xf32, #tpu.memory_space<vmem>>) target(%dma_start3A_110 : memref<640x128xf32, #tpu.memory_space<vmem_shared>>) offsets(%dma_start3A_107 : memref<128xi32, #tpu.memory_space<vmem>>) semaphore(%arg14 : memref<!tpu.dma_semaphore, #tpu.memory_space<semaphore_mem>>) {add = true}
      %dma_start3A_111 = arith.constant 3 : i32
      %dma_start3A_112 = arith.constant 0 : i32
      %dma_start3A_113 = tpu.memref_slice %arg8[%dma_start3A_111, %dma_start3A_112] : memref<8x128xi32, #tpu.memory_space<vmem>> -> memref<1x128xi32, #tpu.memory_space<vmem>>
      %dma_start3A_114 = tpu.memref_squeeze %dma_start3A_113 : memref<1x128xi32, #tpu.memory_space<vmem>> -> memref<128xi32, #tpu.memory_space<vmem>>
      %dma_start3A_115 = arith.constant 0 : i32
      %dma_start3A_116 = arith.constant 0 : i32
      %dma_start3A_117 = tpu.memref_slice %arg11[%dma_start3A_115, %dma_start3A_116] : memref<640x128xf32, #tpu.memory_space<vmem_shared>> -> memref<640x128xf32, #tpu.memory_space<vmem_shared>>
      tpu.enqueue_indirect_dma source(%arg10 : memref<128x128xf32, #tpu.memory_space<vmem>>) target(%dma_start3A_117 : memref<640x128xf32, #tpu.memory_space<vmem_shared>>) offsets(%dma_start3A_114 : memref<128xi32, #tpu.memory_space<vmem>>) semaphore(%arg15 : memref<!tpu.dma_semaphore, #tpu.memory_space<semaphore_mem>>) {add = true}
      %dma_wait3A_118 = arith.constant 2 : i32
      %dma_wait3A_119 = arith.constant 0 : i32
      %dma_wait3A_120 = tpu.memref_slice %arg8[%dma_wait3A_118, %dma_wait3A_119] : memref<8x128xi32, #tpu.memory_space<vmem>> -> memref<1x128xi32, #tpu.memory_space<vmem>>
      %dma_wait3A_121 = tpu.memref_squeeze %dma_wait3A_120 : memref<1x128xi32, #tpu.memory_space<vmem>> -> memref<128xi32, #tpu.memory_space<vmem>>
      %dma_wait3A_122 = arith.constant 0 : i32
      %dma_wait3A_123 = arith.constant 0 : i32
      %dma_wait3A_124 = tpu.memref_slice %arg11[%dma_wait3A_122, %dma_wait3A_123] : memref<640x128xf32, #tpu.memory_space<vmem_shared>> -> memref<640x128xf32, #tpu.memory_space<vmem_shared>>
      tpu.wait_indirect_dma semaphore(%arg14 : memref<!tpu.dma_semaphore, #tpu.memory_space<semaphore_mem>>) src(%arg9 : memref<128x128xf32, #tpu.memory_space<vmem>>) dst(%dma_wait3A_124 : memref<640x128xf32, #tpu.memory_space<vmem_shared>>)
      %dma_wait3A_125 = arith.constant 3 : i32
      %dma_wait3A_126 = arith.constant 0 : i32
      %dma_wait3A_127 = tpu.memref_slice %arg8[%dma_wait3A_125, %dma_wait3A_126] : memref<8x128xi32, #tpu.memory_space<vmem>> -> memref<1x128xi32, #tpu.memory_space<vmem>>
      %dma_wait3A_128 = tpu.memref_squeeze %dma_wait3A_127 : memref<1x128xi32, #tpu.memory_space<vmem>> -> memref<128xi32, #tpu.memory_space<vmem>>
      %dma_wait3A_129 = arith.constant 0 : i32
      %dma_wait3A_130 = arith.constant 0 : i32
      %dma_wait3A_131 = tpu.memref_slice %arg11[%dma_wait3A_129, %dma_wait3A_130] : memref<640x128xf32, #tpu.memory_space<vmem_shared>> -> memref<640x128xf32, #tpu.memory_space<vmem_shared>>
      tpu.wait_indirect_dma semaphore(%arg15 : memref<!tpu.dma_semaphore, #tpu.memory_space<semaphore_mem>>) src(%arg10 : memref<128x128xf32, #tpu.memory_space<vmem>>) dst(%dma_wait3A_131 : memref<640x128xf32, #tpu.memory_space<vmem_shared>>)
      %mul3A_132 = arith.constant 8 : i32
      %mul3A_133 = arith.muli %mul3A_132, %scan3A_15 : i32
      %add3A_134 = arith.constant 4 : i32
      %add3A_135 = arith.addi %mul3A_133, %add3A_134 : i32
      %dma_start3A_136 = arith.constant 0 : i32
      %dma_start3A_137 = tpu.memref_slice %arg7[%add3A_135, %dma_start3A_136] : memref<80x128xi32, #tpu.memory_space<vmem>> -> memref<1x128xi32, #tpu.memory_space<vmem>>
      %dma_start3A_138 = tpu.memref_squeeze %dma_start3A_137 : memref<1x128xi32, #tpu.memory_space<vmem>> -> memref<128xi32, #tpu.memory_space<vmem>>
      %dma_start3A_139 = arith.constant 0 : i32
      %dma_start3A_140 = arith.constant 0 : i32
      %dma_start3A_141 = tpu.memref_slice %arg2[%dma_start3A_139, %dma_start3A_140] : memref<1024x128xf32, #tpu.memory_space<hbm>> -> memref<1024x128xf32, #tpu.memory_space<hbm>>
      tpu.enqueue_indirect_dma source(%dma_start3A_141 : memref<1024x128xf32, #tpu.memory_space<hbm>>) target(%arg9 : memref<128x128xf32, #tpu.memory_space<vmem>>) offsets(%dma_start3A_138 : memref<128xi32, #tpu.memory_space<vmem>>) semaphore(%arg12 : memref<!tpu.dma_semaphore, #tpu.memory_space<semaphore_mem>>)
      %add3A_142 = arith.constant 1 : i32
      %add3A_143 = arith.addi %add3A_135, %add3A_142 : i32
      %dma_start3A_144 = arith.constant 0 : i32
      %dma_start3A_145 = tpu.memref_slice %arg7[%add3A_143, %dma_start3A_144] : memref<80x128xi32, #tpu.memory_space<vmem>> -> memref<1x128xi32, #tpu.memory_space<vmem>>
      %dma_start3A_146 = tpu.memref_squeeze %dma_start3A_145 : memref<1x128xi32, #tpu.memory_space<vmem>> -> memref<128xi32, #tpu.memory_space<vmem>>
      %dma_start3A_147 = arith.constant 0 : i32
      %dma_start3A_148 = arith.constant 0 : i32
      %dma_start3A_149 = tpu.memref_slice %arg2[%dma_start3A_147, %dma_start3A_148] : memref<1024x128xf32, #tpu.memory_space<hbm>> -> memref<1024x128xf32, #tpu.memory_space<hbm>>
      tpu.enqueue_indirect_dma source(%dma_start3A_149 : memref<1024x128xf32, #tpu.memory_space<hbm>>) target(%arg10 : memref<128x128xf32, #tpu.memory_space<vmem>>) offsets(%dma_start3A_146 : memref<128xi32, #tpu.memory_space<vmem>>) semaphore(%arg13 : memref<!tpu.dma_semaphore, #tpu.memory_space<semaphore_mem>>)
      %dma_wait3A_150 = arith.constant 0 : i32
      %dma_wait3A_151 = tpu.memref_slice %arg7[%add3A_135, %dma_wait3A_150] : memref<80x128xi32, #tpu.memory_space<vmem>> -> memref<1x128xi32, #tpu.memory_space<vmem>>
      %dma_wait3A_152 = tpu.memref_squeeze %dma_wait3A_151 : memref<1x128xi32, #tpu.memory_space<vmem>> -> memref<128xi32, #tpu.memory_space<vmem>>
      %dma_wait3A_153 = arith.constant 0 : i32
      %dma_wait3A_154 = arith.constant 0 : i32
      %dma_wait3A_155 = tpu.memref_slice %arg2[%dma_wait3A_153, %dma_wait3A_154] : memref<1024x128xf32, #tpu.memory_space<hbm>> -> memref<1024x128xf32, #tpu.memory_space<hbm>>
      tpu.wait_indirect_dma semaphore(%arg12 : memref<!tpu.dma_semaphore, #tpu.memory_space<semaphore_mem>>) src(%dma_wait3A_155 : memref<1024x128xf32, #tpu.memory_space<hbm>>) dst(%arg9 : memref<128x128xf32, #tpu.memory_space<vmem>>)
      %dma_wait3A_156 = arith.constant 0 : i32
      %dma_wait3A_157 = tpu.memref_slice %arg7[%add3A_143, %dma_wait3A_156] : memref<80x128xi32, #tpu.memory_space<vmem>> -> memref<1x128xi32, #tpu.memory_space<vmem>>
      %dma_wait3A_158 = tpu.memref_squeeze %dma_wait3A_157 : memref<1x128xi32, #tpu.memory_space<vmem>> -> memref<128xi32, #tpu.memory_space<vmem>>
      %dma_wait3A_159 = arith.constant 0 : i32
      %dma_wait3A_160 = arith.constant 0 : i32
      %dma_wait3A_161 = tpu.memref_slice %arg2[%dma_wait3A_159, %dma_wait3A_160] : memref<1024x128xf32, #tpu.memory_space<hbm>> -> memref<1024x128xf32, #tpu.memory_space<hbm>>
      tpu.wait_indirect_dma semaphore(%arg13 : memref<!tpu.dma_semaphore, #tpu.memory_space<semaphore_mem>>) src(%dma_wait3A_161 : memref<1024x128xf32, #tpu.memory_space<hbm>>) dst(%arg10 : memref<128x128xf32, #tpu.memory_space<vmem>>)
      %dma_start3A_162 = arith.constant 4 : i32
      %dma_start3A_163 = arith.constant 0 : i32
      %dma_start3A_164 = tpu.memref_slice %arg8[%dma_start3A_162, %dma_start3A_163] : memref<8x128xi32, #tpu.memory_space<vmem>> -> memref<1x128xi32, #tpu.memory_space<vmem>>
      %dma_start3A_165 = tpu.memref_squeeze %dma_start3A_164 : memref<1x128xi32, #tpu.memory_space<vmem>> -> memref<128xi32, #tpu.memory_space<vmem>>
      %dma_start3A_166 = arith.constant 0 : i32
      %dma_start3A_167 = arith.constant 0 : i32
      %dma_start3A_168 = tpu.memref_slice %arg11[%dma_start3A_166, %dma_start3A_167] : memref<640x128xf32, #tpu.memory_space<vmem_shared>> -> memref<640x128xf32, #tpu.memory_space<vmem_shared>>
      tpu.enqueue_indirect_dma source(%arg9 : memref<128x128xf32, #tpu.memory_space<vmem>>) target(%dma_start3A_168 : memref<640x128xf32, #tpu.memory_space<vmem_shared>>) offsets(%dma_start3A_165 : memref<128xi32, #tpu.memory_space<vmem>>) semaphore(%arg14 : memref<!tpu.dma_semaphore, #tpu.memory_space<semaphore_mem>>) {add = true}
      %dma_start3A_169 = arith.constant 5 : i32
      %dma_start3A_170 = arith.constant 0 : i32
      %dma_start3A_171 = tpu.memref_slice %arg8[%dma_start3A_169, %dma_start3A_170] : memref<8x128xi32, #tpu.memory_space<vmem>> -> memref<1x128xi32, #tpu.memory_space<vmem>>
      %dma_start3A_172 = tpu.memref_squeeze %dma_start3A_171 : memref<1x128xi32, #tpu.memory_space<vmem>> -> memref<128xi32, #tpu.memory_space<vmem>>
      %dma_start3A_173 = arith.constant 0 : i32
      %dma_start3A_174 = arith.constant 0 : i32
      %dma_start3A_175 = tpu.memref_slice %arg11[%dma_start3A_173, %dma_start3A_174] : memref<640x128xf32, #tpu.memory_space<vmem_shared>> -> memref<640x128xf32, #tpu.memory_space<vmem_shared>>
      tpu.enqueue_indirect_dma source(%arg10 : memref<128x128xf32, #tpu.memory_space<vmem>>) target(%dma_start3A_175 : memref<640x128xf32, #tpu.memory_space<vmem_shared>>) offsets(%dma_start3A_172 : memref<128xi32, #tpu.memory_space<vmem>>) semaphore(%arg15 : memref<!tpu.dma_semaphore, #tpu.memory_space<semaphore_mem>>) {add = true}
      %dma_wait3A_176 = arith.constant 4 : i32
      %dma_wait3A_177 = arith.constant 0 : i32
      %dma_wait3A_178 = tpu.memref_slice %arg8[%dma_wait3A_176, %dma_wait3A_177] : memref<8x128xi32, #tpu.memory_space<vmem>> -> memref<1x128xi32, #tpu.memory_space<vmem>>
      %dma_wait3A_179 = tpu.memref_squeeze %dma_wait3A_178 : memref<1x128xi32, #tpu.memory_space<vmem>> -> memref<128xi32, #tpu.memory_space<vmem>>
      %dma_wait3A_180 = arith.constant 0 : i32
      %dma_wait3A_181 = arith.constant 0 : i32
      %dma_wait3A_182 = tpu.memref_slice %arg11[%dma_wait3A_180, %dma_wait3A_181] : memref<640x128xf32, #tpu.memory_space<vmem_shared>> -> memref<640x128xf32, #tpu.memory_space<vmem_shared>>
      tpu.wait_indirect_dma semaphore(%arg14 : memref<!tpu.dma_semaphore, #tpu.memory_space<semaphore_mem>>) src(%arg9 : memref<128x128xf32, #tpu.memory_space<vmem>>) dst(%dma_wait3A_182 : memref<640x128xf32, #tpu.memory_space<vmem_shared>>)
      %dma_wait3A_183 = arith.constant 5 : i32
      %dma_wait3A_184 = arith.constant 0 : i32
      %dma_wait3A_185 = tpu.memref_slice %arg8[%dma_wait3A_183, %dma_wait3A_184] : memref<8x128xi32, #tpu.memory_space<vmem>> -> memref<1x128xi32, #tpu.memory_space<vmem>>
      %dma_wait3A_186 = tpu.memref_squeeze %dma_wait3A_185 : memref<1x128xi32, #tpu.memory_space<vmem>> -> memref<128xi32, #tpu.memory_space<vmem>>
      %dma_wait3A_187 = arith.constant 0 : i32
      %dma_wait3A_188 = arith.constant 0 : i32
      %dma_wait3A_189 = tpu.memref_slice %arg11[%dma_wait3A_187, %dma_wait3A_188] : memref<640x128xf32, #tpu.memory_space<vmem_shared>> -> memref<640x128xf32, #tpu.memory_space<vmem_shared>>
      tpu.wait_indirect_dma semaphore(%arg15 : memref<!tpu.dma_semaphore, #tpu.memory_space<semaphore_mem>>) src(%arg10 : memref<128x128xf32, #tpu.memory_space<vmem>>) dst(%dma_wait3A_189 : memref<640x128xf32, #tpu.memory_space<vmem_shared>>)
      %mul3A_190 = arith.constant 8 : i32
      %mul3A_191 = arith.muli %mul3A_190, %scan3A_15 : i32
      %add3A_192 = arith.constant 6 : i32
      %add3A_193 = arith.addi %mul3A_191, %add3A_192 : i32
      %dma_start3A_194 = arith.constant 0 : i32
      %dma_start3A_195 = tpu.memref_slice %arg7[%add3A_193, %dma_start3A_194] : memref<80x128xi32, #tpu.memory_space<vmem>> -> memref<1x128xi32, #tpu.memory_space<vmem>>
      %dma_start3A_196 = tpu.memref_squeeze %dma_start3A_195 : memref<1x128xi32, #tpu.memory_space<vmem>> -> memref<128xi32, #tpu.memory_space<vmem>>
      %dma_start3A_197 = arith.constant 0 : i32
      %dma_start3A_198 = arith.constant 0 : i32
      %dma_start3A_199 = tpu.memref_slice %arg2[%dma_start3A_197, %dma_start3A_198] : memref<1024x128xf32, #tpu.memory_space<hbm>> -> memref<1024x128xf32, #tpu.memory_space<hbm>>
      tpu.enqueue_indirect_dma source(%dma_start3A_199 : memref<1024x128xf32, #tpu.memory_space<hbm>>) target(%arg9 : memref<128x128xf32, #tpu.memory_space<vmem>>) offsets(%dma_start3A_196 : memref<128xi32, #tpu.memory_space<vmem>>) semaphore(%arg12 : memref<!tpu.dma_semaphore, #tpu.memory_space<semaphore_mem>>)
      %add3A_200 = arith.constant 1 : i32
      %add3A_201 = arith.addi %add3A_193, %add3A_200 : i32
      %dma_start3A_202 = arith.constant 0 : i32
      %dma_start3A_203 = tpu.memref_slice %arg7[%add3A_201, %dma_start3A_202] : memref<80x128xi32, #tpu.memory_space<vmem>> -> memref<1x128xi32, #tpu.memory_space<vmem>>
      %dma_start3A_204 = tpu.memref_squeeze %dma_start3A_203 : memref<1x128xi32, #tpu.memory_space<vmem>> -> memref<128xi32, #tpu.memory_space<vmem>>
      %dma_start3A_205 = arith.constant 0 : i32
      %dma_start3A_206 = arith.constant 0 : i32
      %dma_start3A_207 = tpu.memref_slice %arg2[%dma_start3A_205, %dma_start3A_206] : memref<1024x128xf32, #tpu.memory_space<hbm>> -> memref<1024x128xf32, #tpu.memory_space<hbm>>
      tpu.enqueue_indirect_dma source(%dma_start3A_207 : memref<1024x128xf32, #tpu.memory_space<hbm>>) target(%arg10 : memref<128x128xf32, #tpu.memory_space<vmem>>) offsets(%dma_start3A_204 : memref<128xi32, #tpu.memory_space<vmem>>) semaphore(%arg13 : memref<!tpu.dma_semaphore, #tpu.memory_space<semaphore_mem>>)
      %dma_wait3A_208 = arith.constant 0 : i32
      %dma_wait3A_209 = tpu.memref_slice %arg7[%add3A_193, %dma_wait3A_208] : memref<80x128xi32, #tpu.memory_space<vmem>> -> memref<1x128xi32, #tpu.memory_space<vmem>>
      %dma_wait3A_210 = tpu.memref_squeeze %dma_wait3A_209 : memref<1x128xi32, #tpu.memory_space<vmem>> -> memref<128xi32, #tpu.memory_space<vmem>>
      %dma_wait3A_211 = arith.constant 0 : i32
      %dma_wait3A_212 = arith.constant 0 : i32
      %dma_wait3A_213 = tpu.memref_slice %arg2[%dma_wait3A_211, %dma_wait3A_212] : memref<1024x128xf32, #tpu.memory_space<hbm>> -> memref<1024x128xf32, #tpu.memory_space<hbm>>
      tpu.wait_indirect_dma semaphore(%arg12 : memref<!tpu.dma_semaphore, #tpu.memory_space<semaphore_mem>>) src(%dma_wait3A_213 : memref<1024x128xf32, #tpu.memory_space<hbm>>) dst(%arg9 : memref<128x128xf32, #tpu.memory_space<vmem>>)
      %dma_wait3A_214 = arith.constant 0 : i32
      %dma_wait3A_215 = tpu.memref_slice %arg7[%add3A_201, %dma_wait3A_214] : memref<80x128xi32, #tpu.memory_space<vmem>> -> memref<1x128xi32, #tpu.memory_space<vmem>>
      %dma_wait3A_216 = tpu.memref_squeeze %dma_wait3A_215 : memref<1x128xi32, #tpu.memory_space<vmem>> -> memref<128xi32, #tpu.memory_space<vmem>>
      %dma_wait3A_217 = arith.constant 0 : i32
      %dma_wait3A_218 = arith.constant 0 : i32
      %dma_wait3A_219 = tpu.memref_slice %arg2[%dma_wait3A_217, %dma_wait3A_218] : memref<1024x128xf32, #tpu.memory_space<hbm>> -> memref<1024x128xf32, #tpu.memory_space<hbm>>
      tpu.wait_indirect_dma semaphore(%arg13 : memref<!tpu.dma_semaphore, #tpu.memory_space<semaphore_mem>>) src(%dma_wait3A_219 : memref<1024x128xf32, #tpu.memory_space<hbm>>) dst(%arg10 : memref<128x128xf32, #tpu.memory_space<vmem>>)
      %dma_start3A_220 = arith.constant 6 : i32
      %dma_start3A_221 = arith.constant 0 : i32
      %dma_start3A_222 = tpu.memref_slice %arg8[%dma_start3A_220, %dma_start3A_221] : memref<8x128xi32, #tpu.memory_space<vmem>> -> memref<1x128xi32, #tpu.memory_space<vmem>>
      %dma_start3A_223 = tpu.memref_squeeze %dma_start3A_222 : memref<1x128xi32, #tpu.memory_space<vmem>> -> memref<128xi32, #tpu.memory_space<vmem>>
      %dma_start3A_224 = arith.constant 0 : i32
      %dma_start3A_225 = arith.constant 0 : i32
      %dma_start3A_226 = tpu.memref_slice %arg11[%dma_start3A_224, %dma_start3A_225] : memref<640x128xf32, #tpu.memory_space<vmem_shared>> -> memref<640x128xf32, #tpu.memory_space<vmem_shared>>
      tpu.enqueue_indirect_dma source(%arg9 : memref<128x128xf32, #tpu.memory_space<vmem>>) target(%dma_start3A_226 : memref<640x128xf32, #tpu.memory_space<vmem_shared>>) offsets(%dma_start3A_223 : memref<128xi32, #tpu.memory_space<vmem>>) semaphore(%arg14 : memref<!tpu.dma_semaphore, #tpu.memory_space<semaphore_mem>>) {add = true}
      %dma_start3A_227 = arith.constant 7 : i32
      %dma_start3A_228 = arith.constant 0 : i32
      %dma_start3A_229 = tpu.memref_slice %arg8[%dma_start3A_227, %dma_start3A_228] : memref<8x128xi32, #tpu.memory_space<vmem>> -> memref<1x128xi32, #tpu.memory_space<vmem>>
      %dma_start3A_230 = tpu.memref_squeeze %dma_start3A_229 : memref<1x128xi32, #tpu.memory_space<vmem>> -> memref<128xi32, #tpu.memory_space<vmem>>
      %dma_start3A_231 = arith.constant 0 : i32
      %dma_start3A_232 = arith.constant 0 : i32
      %dma_start3A_233 = tpu.memref_slice %arg11[%dma_start3A_231, %dma_start3A_232] : memref<640x128xf32, #tpu.memory_space<vmem_shared>> -> memref<640x128xf32, #tpu.memory_space<vmem_shared>>
      tpu.enqueue_indirect_dma source(%arg10 : memref<128x128xf32, #tpu.memory_space<vmem>>) target(%dma_start3A_233 : memref<640x128xf32, #tpu.memory_space<vmem_shared>>) offsets(%dma_start3A_230 : memref<128xi32, #tpu.memory_space<vmem>>) semaphore(%arg15 : memref<!tpu.dma_semaphore, #tpu.memory_space<semaphore_mem>>) {add = true}
      %dma_wait3A_234 = arith.constant 6 : i32
      %dma_wait3A_235 = arith.constant 0 : i32
      %dma_wait3A_236 = tpu.memref_slice %arg8[%dma_wait3A_234, %dma_wait3A_235] : memref<8x128xi32, #tpu.memory_space<vmem>> -> memref<1x128xi32, #tpu.memory_space<vmem>>
      %dma_wait3A_237 = tpu.memref_squeeze %dma_wait3A_236 : memref<1x128xi32, #tpu.memory_space<vmem>> -> memref<128xi32, #tpu.memory_space<vmem>>
      %dma_wait3A_238 = arith.constant 0 : i32
      %dma_wait3A_239 = arith.constant 0 : i32
      %dma_wait3A_240 = tpu.memref_slice %arg11[%dma_wait3A_238, %dma_wait3A_239] : memref<640x128xf32, #tpu.memory_space<vmem_shared>> -> memref<640x128xf32, #tpu.memory_space<vmem_shared>>
      tpu.wait_indirect_dma semaphore(%arg14 : memref<!tpu.dma_semaphore, #tpu.memory_space<semaphore_mem>>) src(%arg9 : memref<128x128xf32, #tpu.memory_space<vmem>>) dst(%dma_wait3A_240 : memref<640x128xf32, #tpu.memory_space<vmem_shared>>)
      %dma_wait3A_241 = arith.constant 7 : i32
      %dma_wait3A_242 = arith.constant 0 : i32
      %dma_wait3A_243 = tpu.memref_slice %arg8[%dma_wait3A_241, %dma_wait3A_242] : memref<8x128xi32, #tpu.memory_space<vmem>> -> memref<1x128xi32, #tpu.memory_space<vmem>>
      %dma_wait3A_244 = tpu.memref_squeeze %dma_wait3A_243 : memref<1x128xi32, #tpu.memory_space<vmem>> -> memref<128xi32, #tpu.memory_space<vmem>>
      %dma_wait3A_245 = arith.constant 0 : i32
      %dma_wait3A_246 = arith.constant 0 : i32
      %dma_wait3A_247 = tpu.memref_slice %arg11[%dma_wait3A_245, %dma_wait3A_246] : memref<640x128xf32, #tpu.memory_space<vmem_shared>> -> memref<640x128xf32, #tpu.memory_space<vmem_shared>>
      tpu.wait_indirect_dma semaphore(%arg15 : memref<!tpu.dma_semaphore, #tpu.memory_space<semaphore_mem>>) src(%arg10 : memref<128x128xf32, #tpu.memory_space<vmem>>) dst(%dma_wait3A_247 : memref<640x128xf32, #tpu.memory_space<vmem_shared>>)
    }
    %scan3A_9 = arith.constant 10 : i32
    %barrier3A_10 = arith.constant 0 : index
    tpu.barrier barrier_id(%barrier3A_10)
    %mul3A_11 = arith.constant 40 : i32
    %mul3A_12 = arith.muli %arg1, %mul3A_11 : i32
    %mul3A_13 = arith.constant 40 : i32
    %mul3A_14 = arith.muli %arg1, %mul3A_13 : i32
    "tpu.region"() ({
      %run_scoped3A = tpu.sem_alloc : memref<!tpu.dma_semaphore, #tpu.memory_space<semaphore_mem>>
      %dma_start3A = arith.constant 0 : i32
      %dma_start3A_15 = tpu.memref_slice %arg6[%arg0, %mul3A_14, %dma_start3A] : memref<2x640x128xf32, #tpu.memory_space<hbm>> -> memref<1x40x128xf32, #tpu.memory_space<hbm>>
      %dma_start3A_16 = tpu.memref_squeeze %dma_start3A_15 : memref<1x40x128xf32, #tpu.memory_space<hbm>> -> memref<40x128xf32, #tpu.memory_space<hbm>>
      %dma_start3A_17 = arith.constant 0 : i32
      %dma_start3A_18 = tpu.memref_slice %arg11[%mul3A_12, %dma_start3A_17] : memref<640x128xf32, #tpu.memory_space<vmem_shared>> -> memref<40x128xf32, #tpu.memory_space<vmem_shared>>
      tpu.enqueue_dma source(%dma_start3A_18 : memref<40x128xf32, #tpu.memory_space<vmem_shared>>) target(%dma_start3A_16 : memref<40x128xf32, #tpu.memory_space<hbm>>) target_semaphore(%run_scoped3A : memref<!tpu.dma_semaphore, #tpu.memory_space<semaphore_mem>>)
      %dma_wait3A = arith.constant 0 : i32
      %dma_wait3A_19 = tpu.memref_slice %arg6[%arg0, %mul3A_14, %dma_wait3A] : memref<2x640x128xf32, #tpu.memory_space<hbm>> -> memref<1x40x128xf32, #tpu.memory_space<hbm>>
      %dma_wait3A_20 = tpu.memref_squeeze %dma_wait3A_19 : memref<1x40x128xf32, #tpu.memory_space<hbm>> -> memref<40x128xf32, #tpu.memory_space<hbm>>
      %dma_wait3A_21 = arith.constant 0 : i32
      %dma_wait3A_22 = tpu.memref_slice %arg11[%mul3A_12, %dma_wait3A_21] : memref<640x128xf32, #tpu.memory_space<vmem_shared>> -> memref<40x128xf32, #tpu.memory_space<vmem_shared>>
      tpu.wait_dma2 semaphore(%run_scoped3A : memref<!tpu.dma_semaphore, #tpu.memory_space<semaphore_mem>>) src(%dma_wait3A_22 : memref<40x128xf32, #tpu.memory_space<vmem_shared>>) dst(%dma_wait3A_20 : memref<40x128xf32, #tpu.memory_space<hbm>>)
      tpu.yield
    }) : () -> ()
    return
  }
}

</mosaic_0001>

<sc_bundles>
// kernel: _sc_gather_scatter.3.cloned.1.call-start
scs
__scs_entry_jumppad:
0x0: {  	(pc) =	sbr.rel $0x88, $3  }
0x1: {  	(tag) =	ssettag $0x0;
	lr =	simm.s32 $0x1  }
0x2: {  	[smem:$0x3F9D] =	sst lr;
	_ =	strace $0xD0000000  }
0x3: {  	_ = 	snop  }
0x4: {  	_ = 	snop  }
0x5: {  	_ = 	snop  }
0x6: {  	_ = 	snop  }
0x7: {  	_ = 	snop  }
__scs_overlays_trampoline_lowered:
0x8: {  	[smem:$0x3FAC] =	sst s0  }
0x9: {  	[smem:$0x3FAD] =	sst s1  }
0xa: {  	[smem:$0x3FAE] =	sst s2  }
0xb: {  	[smem:$0x3FAF] =	sst s3  }
0xc: {  	[smem:$0x3FB0] =	sst s4  }
0xd: {  	[smem:$0x3FB1] =	sst s5  }
0xe: {  	[smem:$0x3FB2] =	sst s6  }
0xf: {  	[smem:$0x3FB3] =	sst s7  }
0x10: {  	[smem:$0x3FB4] =	sst s8  }
0x11: {  	[smem:$0x3FB5] =	sst s9;
	s0 =	simm.s32 @!p0 $0x0  }
0x12: {  	s1 =	sld [smem:$0x3F9B];
	s0 =	simm.s32 @p0 $0x1  }
0x13: {  	[smem:$0x3FB6] =	sst s0;
	s0 =	simm.s32 @!p1 $0x0  }
0x14: {  	s2 =	sld [smem:$0x3F9A];
	s0 =	simm.s32 @p1 $0x1  }
0x15: {  	[smem:$0x3FB7] =	sst s0;
	s0 =	simm.s32 @!p2 $0x0  }
0x16: {  	s3 =	sld [smem:$0x3FDB];
	s0 =	simm.s32 @p2 $0x1  }
0x17: {  	s4 =	simm.s32 $0x1BF5;
	[smem:$0x3FB9] =	sst s0  }
0x18: {  	s0 =	sld [smem:$0x3F9C];
	_ =	swait.ge [sflag:s4], $0x0  }
0x19: {  	s7 =	sld [smem:$0x3F9D]  }
0x1a: {  	s8 =	sadd.s32 $0xFFFFE003, lr  }
0x1b: {  	s9 =	sadd.s32 $0xFFFFFEF7, lr;
	s5 =	simm.s32 $0xFFFFFFFF;
	p2 =	slt.u32 s8, $0xFFFFF086  }
0x1c: {  	p1 =	slt.u32 s9, $0xF7A;
	s5 =	simm.s32 @!p2 $0x0  }
0x1d: {  	s5 =	simm.s32 @p1 $0x1;
	p0 =	seq.s32 s7, s2  }
0x1e: {  	s7 =	smul.u32 @!p0 $0xF7A, s2;
	p2 =	seq.s32 @!p0 s5, $0x0  }
0x1f: {  	s9 =	smul.u32 $0xF7A, s1;
	s8 =	simm.s32 @!p0 $0x1BF5;
	p2 =	por !p2, p0  }
0x20: {  	[sflag:s8] =	ssyncset.s32 @!p0 $0xFFFFF086;
	s6 =	sadd.s32 @!p0 s3, s7;
	s7 =	simm.s32 @!p0 $0x108  }
0x21: {  	s3 =	sadd.s32 s3, s9;
	s6 =	sadd.s32 @!p0 $0x88, s6;
	s7 =	simm.s32 @p2 $0x1082  }
0x22: {  	[simem:s7], [sflag:s8] =	dma.local @!p0 [hbm:s6], $0xF7A  }
0x23: {  	s9 =	sor.u32 $0xD0000000, s2;
	s6 =	simm.s32 $0x108;
	_ =	swait.ge @!p0 [sflag:s8], $0x0  }
0x24: {  	s3 =	sadd.s32 $0x88, s3;
	s6 =	simm.s32 @!p1 $0x1082;
	[sflag:s4] =	ssyncset.s32 $0xFFFFF086  }
0x25: {  	[simem:s6], [sflag:s4] =	dma.local [hbm:s3], $0xF7A  }
0x26: {  	[smem:$0x3F9D] =	sst s1;
	(tag) =	ssettag s2;
	_ =	strace s9  }
0x27: {  	s1 =	sld [smem:$0x3FAD]  }
0x28: {  	s2 =	sld [smem:$0x3FAE]  }
0x29: {  	s4 =	sld [smem:$0x3FB0]  }
0x2a: {  	p0 =	seq.s32 s5, $0x0;
	s5 =	sld [smem:$0x3FB1]  }
0x2b: {  	s6 =	sld [smem:$0x3FB2]  }
0x2c: {  	s7 =	sld [smem:$0x3FB3]  }
0x2d: {  	s3 =	simm.s32 $0x108;
	s8 =	sld [smem:$0x3FB4]  }
0x2e: {  	s3 =	simm.s32 @!p0 $0x1082;
	s9 =	sld [smem:$0x3FB5]  }
0x2f: {  	lr =	sadd.s32 s0, s3;
	s0 =	sld [smem:$0x3FAC]  }
0x30: {  	s3 =	sld [smem:$0x3FAF]  }
0x31: {  	[smem:$0x3FB8] =	sst s10  }
0x32: {  	s10 =	sld [smem:$0x3FB6];
	_ =	sdelay $0x3  }
0x33: {  	p0 =	seq.s32 s10, $0x1;
	s10 =	sld [smem:$0x3FB8];
	_ =	sdelay $0x3  }
0x34: {  	[smem:$0x3FB8] =	sst s10  }
0x35: {  	s10 =	sld [smem:$0x3FB7];
	_ =	sdelay $0x3  }
0x36: {  	p1 =	seq.s32 s10, $0x1;
	s10 =	sld [smem:$0x3FB8];
	_ =	sdelay $0x3  }
0x37: {  	[smem:$0x3FB8] =	sst s10  }
0x38: {  	s10 =	sld [smem:$0x3FB9]  }
0x39: {  	_ = 	snop;
	(pc) =	sbr.ind lr, $3  }
0x3a: {  	_ = 	snop  }
0x3b: {  	_ = 	snop  }
0x3c: {  	p2 =	seq.s32 s10, $0x1;
	s10 =	sld [smem:$0x3FB8]  }
0x3d: {  	_ =	shalt  }
0x3e: {  	_ =	shalt  }
0x3f: {  	_ =	shalt  }
0x40: {  	_ =	shalt  }
0x41: {  	_ =	shalt  }
0x42: {  	_ =	shalt  }
0x43: {  	_ =	shalt  }
0x44: {  	_ =	shalt  }
0x45: {  	_ =	shalt  }
0x46: {  	_ =	shalt  }
0x47: {  	_ =	shalt  }
0x48: {  	_ =	shalt  }
0x49: {  	_ =	shalt  }
0x4a: {  	_ =	shalt  }
0x4b: {  	_ =	shalt  }
0x4c: {  	_ =	shalt  }
0x4d: {  	_ =	shalt  }
0x4e: {  	_ =	shalt  }
0x4f: {  	_ =	shalt  }
0x50: {  	_ =	shalt  }
0x51: {  	_ =	shalt  }
0x52: {  	_ =	shalt  }
0x53: {  	_ =	shalt  }
0x54: {  	_ =	shalt  }
0x55: {  	_ =	shalt  }
0x56: {  	_ =	shalt  }
0x57: {  	_ =	shalt  }
0x58: {  	_ =	shalt  }
0x59: {  	_ =	shalt  }
0x5a: {  	_ =	shalt  }
0x5b: {  	_ =	shalt  }
0x5c: {  	_ =	shalt  }
0x5d: {  	_ =	shalt  }
0x5e: {  	_ =	shalt  }
0x5f: {  	_ =	shalt  }
0x60: {  	_ =	shalt  }
0x61: {  	_ =	shalt  }
0x62: {  	_ =	shalt  }
0x63: {  	_ =	shalt  }
0x64: {  	_ =	shalt  }
0x65: {  	_ =	shalt  }
0x66: {  	_ =	shalt  }
0x67: {  	_ =	shalt  }
0x68: {  	_ =	shalt  }
0x69: {  	_ =	shalt  }
0x6a: {  	_ =	shalt  }
0x6b: {  	_ =	shalt  }
0x6c: {  	_ =	shalt  }
0x6d: {  	_ =	shalt  }
0x6e: {  	_ =	shalt  }
0x6f: {  	_ =	shalt  }
0x70: {  	_ =	shalt  }
0x71: {  	_ =	shalt  }
0x72: {  	_ =	shalt  }
0x73: {  	_ =	shalt  }
0x74: {  	_ =	shalt  }
0x75: {  	_ =	shalt  }
0x76: {  	_ =	shalt  }
0x77: {  	_ =	shalt  }
0x78: {  	_ =	shalt  }
0x79: {  	_ =	shalt  }
0x7a: {  	_ =	shalt  }
0x7b: {  	_ =	shalt  }
0x7c: {  	_ =	shalt  }
0x7d: {  	_ =	shalt  }
0x7e: {  	_ =	shalt  }
0x7f: {  	_ =	shalt  }
0x80: {  	_ =	shalt  }
0x81: {  	_ =	shalt  }
0x82: {  	_ =	shalt  }
0x83: {  	_ =	shalt  }
0x84: {  	_ =	shalt  }
0x85: {  	_ =	shalt  }
0x86: {  	_ =	shalt  }
0x87: {  	_ =	shalt  }
.Lfunc_end0:
.L_simem_size_0:
called_computation_lowered:
.L_overlay_start_0:
0x88: {  	s2 =	sld [smem:$0x3FD9]  }
0x89: {  	s3 =	sld [smem:$0x3FFE];
	_ =	sdelay $0x1  }
0x8a: {  	s1 =	srdreg.scid  }
0x8b: {  	s0 =	sand.u32 $0x1, s1  }
0x8c: {  	s18 =	sshll.u32 s0, $0xA;
	s2 =	sadd.s32 s3, s2  }
0x8d: {  	s2 =	sadd.s32 s2, s18  }
0x8e: {  	[smem:$0x3FC4] =	sst s2  }
0x8f: {  	_ = 	snop  }
0x90: {  	s2 =	sld [smem:$0x3FC9]  }
0x91: {  	s19 =	sld [smem:$0x3FC8]  }
0x92: {  	s4 =	sld [smem:$0x3FC7]  }
0x93: {  	s5 =	sld [smem:$0x3FC6]  }
0x94: {  	s6 =	sld [smem:$0x3FD0];
	(tm) =	ssettm $0x1  }
0x95: {  	s7 =	sld [smem:$0x3FFB];
	_ =	sdelay $0x3  }
0x96: {  	_ =	strace s7  }
0x97: {  	s7 =	sld [smem:$0x3FFC];
	_ =	sdelay $0x3  }
0x98: {  	_ =	strace s7  }
0x99: {  	s7 =	sld [smem:$0x3FFD];
	_ =	sdelay $0x3  }
0x9a: {  	_ =	strace s7  }
0x9b: {  	_ =	strace $0x8FFFFFFF  }
0x9c: {  	s20 =	sld [smem:$0x3FDB];
	_ =	sdelay $0x1  }
0x9d: {  	s8 =	simm.s32 $_scs_section_size  }
0x9e: {  	s9 =	simm.s32 $_size__tile_overlayer_lowered;
	s10 =	simm.s32 $_tile_overlayer_lowered  }
0x9f: {  	s23 =	simm.s32 $0x1BFF;
	s22 =	sshll.u32 s10, $0x1;
	s7 =	sadd.s32 s8, s20  }
0xa0: {  	s11 =	simm.s32 $0x0;
	s21 =	sshll.u32 s9, $0x1;
	s9 =	sadd.s32 s22, s7  }
0xa1: {  	[timem:s11], [sflag:s23] =	dma.local [hbm:s9], s21  }
0xa2: {  	_ =	swait.ge [sflag:s23], s21  }
0xa3: {  	s8 =	ssub.s32 $0x0, s21;
	[sflag:s23] =	ssyncset.done $0x0  }
0xa4: {  	[sflag:s23] =	ssyncadd.s32 s8;
	_ =	sdelay $0x1  }
0xa5: {  	s24 =	simm.s32 $0x1B8B  }
0xa6: {  	_ =	swait.ge [sflag:s24], $0x1  }
0xa7: {  	[sflag:s24] =	ssyncset.done $0x0  }
0xa8: {  	s25 =	simm.s32 $0x1B8E;
	[sflag:s24] =	ssyncadd.s32 $0xFFFFFFFF  }
0xa9: {  	s26 =	simm.s32 $execute0_lowered;
	[smem:$0x3FD2] =	sst s25  }
0xaa: {  	s8 =	sshll.u32 s26, $0x1;
	_ =	strace $0x80000046;
	[dreg:$0x1] =	wrdreg $0xFFFFFFFF  }
0xab: {  	s28 =	simm.s32 $_size_execute0_lowered;
	s7 =	sadd.s32 s7, s8;
	[dreg:$0x0] =	wrdreg $0x0  }
0xac: {  	s8 =	sshll.u32 s28, $0x1;
	[dreg:$0x2] =	wrdreg s7  }
0xad: {  	[dreg:$0x3] =	wrdreg s8  }
0xae: {  	[dreg:$0x4] =	wrdreg $0xC0  }
0xaf: {  	_ =	task [dreg:s11], $0x5FFFF  }
0xb0: {  	[dreg:$0x1] =	wrdreg $0xFFFFFFFF  }
0xb1: {  	[dreg:$0x0] =	wrdreg $0x60  }
0xb2: {  	[dreg:$0x2] =	wrdreg s2  }
0xb3: {  	[dreg:$0x3] =	wrdreg s19  }
0xb4: {  	[dreg:$0x4] =	wrdreg s4  }
0xb5: {  	[dreg:$0x5] =	wrdreg s5  }
0xb6: {  	[dreg:$0x6] =	wrdreg s6  }
0xb7: {  	[dreg:$0x7] =	wrdreg $0xAC000  }
0xb8: {  	[dreg:$0x8] =	wrdreg $0x9  }
0xb9: {  	_ =	task.clear_ibuf [dreg:s11], $0x9FFFF;
	_ =	strace $0x90000046  }
0xba: {  	s29 =	simm.s32 $0x9;
	_ =	strace $0x80000048  }
0xbb: {  	_ =	swait.ge [sflag:s29], $0x1  }
0xbc: {  	[sflag:s29] =	ssyncadd.s32 $0xFFFFFFFF  }
0xbd: {  	_ =	strace $0x90000048  }
0xbe: {  	_ =	sfence  }
0xbf: {  	s30 =	sld [smem:$0x0];
	_ =	sdelay $0x2  }
0xc0: {  	s31 =	sshll.u32 s1, $0xD;
	s1 =	sshrl.u32 s1, $0x2  }
0xc1: {  	s3 =	sand.u32 $0x4000, s31;
	s1 =	sadd.s32 s1, s30  }
0xc2: {  	s0 =	sor.u32 s3, s0;
	s1 =	sshll.u32 s1, $0x11  }
0xc3: {  	s0 =	sor.u32 s1, s0  }
0xc4: {  	s0 =	sadd.s32 $0x8F2B, s0  }
0xc5: {  	[sflag:s0] =	ssyncadd.remote.s32 $0x1  }
0xc6: {  	_ =	sfence.sel $0xFFFF  }
0xc7: {  	[dreg:$0x0] =	wrdreg $0xFFFFFFFF;
	(pc) =	sbr.abs _section_cstart, $3  }
0xc8: {  	[dreg:$0x1] =	wrdreg $0xFFFFFFFF  }
0xc9: {  	_ =	task.clear_ibuf [dreg:s11], $0x2FFFF;
	_ =	strace $0x9FFFFFFF  }
0xca: {  	(tm) =	ssettm $0x7FFFFFFF  }
0xcb: {  	_ =	shalt  }
tec
execute0_lowered:
.L_overlay_start_1:
0x0: {  	(tag) =	ssettag $0x1  }
0x1: {  	s0 =	rddreg [dreg:$0x0]  }
0x2: {  	s2 =	rddreg [dreg:$0x1]  }
0x3: {  	s9 =	rddreg [dreg:$0x2]  }
0x4: {  	s6 =	rddreg [dreg:$0x3];
	s3 =	srdreg.scid  }
0x5: {  	s1 =	stileid.u32;
	s7 =	rddreg [dreg:$0x4]  }
0x6: {  	s15 =	simm.s32 $0x2C00;
	s16 =	simm.s32 $0x6C00;
	s17 =	simm.s32 $0x1  }
0x7: {  	s18 =	simm.s32 $0x2;
	s19 =	simm.s32 $0x2880;
	s20 =	simm.s32 $0x3  }
0x8: {  	s21 =	simm.s32 $0x4;
	s22 =	simm.s32 $0x2900;
	s23 =	simm.s32 $0x2980  }
0x9: {  	s24 =	simm.s32 $0x2A00;
	s28 =	simm.s32 $0x2B80;
	s11 =	smul.u32 $0x5000, s1  }
0xa: {  	s29 =	simm.s32 $0x0;
	s8 =	sand.u32 $0x1, s3;
	s13 =	smul.u32 $0x1400, s1  }
0xb: {  	s4 =	sshll.u32 s1, $0x1;
	s3 =	rddreg [dreg:$0x5];
	s25 =	smul.u32 $0x14000, s8  }
0xc: {  	s5 =	sor.u32 s8, s4;
	s10 =	ssub.s32 $0x2, s8;
	s8 =	smul.u32 $0x2800, s8  }
0xd: {  	s31 =	sshll.u32 s1, $0x6;
	s4 =	simm.s32 $0x0;
	s5 =	smul.u32 $0x2800, s5  }
0xe: {  	[smem:$0x7FF] =	sst s4;
	s12 =	sshrl.u32 s10, $0x1;
	s26 =	sshrl.u32 s11, $0x2  }
0xf: {  	s14 =	sshrl.u32 s13, $0x3;
	_ =	strace $0x80000047;
	s10 =	ssub.s32 s10, s12  }
0x10: {  	s12 =	sadd.s32 s13, s25;
	s6 =	sadd.s32 s6, s14;
	s11 =	sadd.s32 s8, s11  }
0x11: {  	s13 =	simm.s32 $0x2800;
	s14 =	simm.s32 $0x80;
	s25 =	simm.s32 $0x2A80  }
0x12: {  	s5 =	sshrl.u32 s5, $0x3;
	s12 =	sshrl.u32 s12, $0x3;
	s8 =	smax.u32 s10, $0x1  }
0x13: {  	s30 =	sshrl.u32 s11, $0x3;
	s10 =	simm.s32 $0x5;
	s11 =	sor.u32 $0x1C05, s31  }
0x14: {  	s5 =	sadd.s32 s2, s5;
	s2 =	sadd.s32 s26, s3;
	s7 =	sadd.s32 s7, s12  }
0x15: {  	s9 =	sadd.s32 s30, s9;
	s26 =	simm.s32 $0x2B00;
	s12 =	sshrl.u32 s2, $0x3  }
.LBB2_1:
0x16: {  	[tilespmem:s4], [sflag:$0x5] =	stream.linear.gather [hbm4b:s5+s4], $0x2800, $0x38;
	[tilespmem:$0xC000] =	vst v63  }
0x17: {  	_ =	swait.ge [sflag:s10], $0x2800  }
0x18: {  	[sflag:s10] =	ssyncset.done $0x0  }
0x19: {  	[sflag:s10] =	ssyncadd.s32 $0xFFFFD800  }
0x1a: {  	[spmem:s12], [sflag:s11] =	dma.local [hbm:s6], $0x280  }
0x1b: {  	_ =	swait.ge [sflag:s10], $0x280  }
0x1c: {  	[sflag:s10] =	ssyncset.done $0x0  }
0x1d: {  	[sflag:s10] =	ssyncadd.s32 $0xFFFFFD80  }
0x1e: {  	[bflag:$0x0] =	sbarrier.arrive $0xFFFF  }
0x1f: {  	[tilespmem:s13], [sflag:$0x5] =	stream.linear.gather [hbm4b:s9+s4], $0x400, $0x38;
	[tilespmem:$0xC000] =	vst v63  }
0x20: {  	_ =	swait.ge [sflag:s10], $0x400  }
0x21: {  	[sflag:s10] =	ssyncset.done $0x0  }
0x22: {  	s2 =	simm.s32 $0x0;
	[sflag:s10] =	ssyncadd.s32 $0xFFFFFC00  }
0x23: {  	[tilespmem:s15], [sflag:$0x1] =	stream.indirect.gather [hbm4b:s0+s14], $0x80, s2, s14, $0xb8;
	[tilespmem:$0xC000] =	vst v63  }
0x24: {  	s1 =	simm.s32 $0x80  }
0x25: {  	[tilespmem:s16], [sflag:$0x2] =	stream.indirect.gather [hbm4b:s0+s14], $0x80, s1, s14, $0xb8;
	[tilespmem:$0xC000] =	vst v63  }
0x26: {  	_ =	swait.ge [sflag:s17], $0x4000  }
0x27: {  	[sflag:s17] =	ssyncset.done $0x0  }
0x28: {  	[sflag:s17] =	ssyncadd.s32 $0xFFFFC000  }
0x29: {  	_ =	swait.ge [sflag:s18], $0x4000  }
0x2a: {  	[sflag:s18] =	ssyncset.done $0x0  }
0x2b: {  	[sflag:s18] =	ssyncadd.s32 $0xFFFFC000  }
0x2c: {  	[spmem:s3] =	stream.indirect.scatter.add.f32 [tilespmem:s15], [sflag:$0x3], $0x80, s13, s14, $0xb8;
	[tilespmem:$0xC000] =	vst v63  }
0x2d: {  	_ = 	snop  }
0x2e: {  	[spmem:s3] =	stream.indirect.scatter.add.f32 [tilespmem:s16], [sflag:$0x4], $0x80, s19, s14, $0xb8;
	[tilespmem:$0xC000] =	vst v63  }
0x2f: {  	_ =	swait.ge [sflag:s20], $0x4000  }
0x30: {  	[sflag:s20] =	ssyncset.done $0x0  }
0x31: {  	[sflag:s20] =	ssyncadd.s32 $0xFFFFC000  }
0x32: {  	_ =	swait.ge [sflag:s21], $0x4000  }
0x33: {  	[sflag:s21] =	ssyncset.done $0x0  }
0x34: {  	s1 =	simm.s32 $0x100;
	[sflag:s21] =	ssyncadd.s32 $0xFFFFC000  }
0x35: {  	[tilespmem:s15], [sflag:$0x1] =	stream.indirect.gather [hbm4b:s0+s14], $0x80, s1, s14, $0xb8;
	[tilespmem:$0xC000] =	vst v63  }
0x36: {  	s1 =	simm.s32 $0x180  }
0x37: {  	[tilespmem:s16], [sflag:$0x2] =	stream.indirect.gather [hbm4b:s0+s14], $0x80, s1, s14, $0xb8;
	[tilespmem:$0xC000] =	vst v63  }
0x38: {  	_ =	swait.ge [sflag:s17], $0x4000  }
0x39: {  	[sflag:s17] =	ssyncset.done $0x0  }
0x3a: {  	[sflag:s17] =	ssyncadd.s32 $0xFFFFC000  }
0x3b: {  	_ =	swait.ge [sflag:s18], $0x4000  }
0x3c: {  	[sflag:s18] =	ssyncset.done $0x0  }
0x3d: {  	[sflag:s18] =	ssyncadd.s32 $0xFFFFC000  }
0x3e: {  	[spmem:s3] =	stream.indirect.scatter.add.f32 [tilespmem:s15], [sflag:$0x3], $0x80, s22, s14, $0xb8;
	[tilespmem:$0xC000] =	vst v63  }
0x3f: {  	_ = 	snop  }
0x40: {  	[spmem:s3] =	stream.indirect.scatter.add.f32 [tilespmem:s16], [sflag:$0x4], $0x80, s23, s14, $0xb8;
	[tilespmem:$0xC000] =	vst v63  }
0x41: {  	_ =	swait.ge [sflag:s20], $0x4000  }
0x42: {  	[sflag:s20] =	ssyncset.done $0x0  }
0x43: {  	[sflag:s20] =	ssyncadd.s32 $0xFFFFC000  }
0x44: {  	_ =	swait.ge [sflag:s21], $0x4000  }
0x45: {  	[sflag:s21] =	ssyncset.done $0x0  }
0x46: {  	s1 =	simm.s32 $0x200;
	[sflag:s21] =	ssyncadd.s32 $0xFFFFC000  }
0x47: {  	[tilespmem:s15], [sflag:$0x1] =	stream.indirect.gather [hbm4b:s0+s14], $0x80, s1, s14, $0xb8;
	[tilespmem:$0xC000] =	vst v63  }
0x48: {  	s1 =	simm.s32 $0x280  }
0x49: {  	[tilespmem:s16], [sflag:$0x2] =	stream.indirect.gather [hbm4b:s0+s14], $0x80, s1, s14, $0xb8;
	[tilespmem:$0xC000] =	vst v63  }
0x4a: {  	_ =	swait.ge [sflag:s17], $0x4000  }
0x4b: {  	[sflag:s17] =	ssyncset.done $0x0  }
0x4c: {  	[sflag:s17] =	ssyncadd.s32 $0xFFFFC000  }
0x4d: {  	_ =	swait.ge [sflag:s18], $0x4000  }
0x4e: {  	[sflag:s18] =	ssyncset.done $0x0  }
0x4f: {  	[sflag:s18] =	ssyncadd.s32 $0xFFFFC000  }
0x50: {  	[spmem:s3] =	stream.indirect.scatter.add.f32 [tilespmem:s15], [sflag:$0x3], $0x80, s24, s14, $0xb8;
	[tilespmem:$0xC000] =	vst v63  }
0x51: {  	_ = 	snop  }
0x52: {  	[spmem:s3] =	stream.indirect.scatter.add.f32 [tilespmem:s16], [sflag:$0x4], $0x80, s25, s14, $0xb8;
	[tilespmem:$0xC000] =	vst v63  }
0x53: {  	_ =	swait.ge [sflag:s20], $0x4000  }
0x54: {  	[sflag:s20] =	ssyncset.done $0x0  }
0x55: {  	[sflag:s20] =	ssyncadd.s32 $0xFFFFC000  }
0x56: {  	_ =	swait.ge [sflag:s21], $0x4000  }
0x57: {  	[sflag:s21] =	ssyncset.done $0x0  }
0x58: {  	s1 =	simm.s32 $0x300;
	[sflag:s21] =	ssyncadd.s32 $0xFFFFC000  }
0x59: {  	[tilespmem:s15], [sflag:$0x1] =	stream.indirect.gather [hbm4b:s0+s14], $0x80, s1, s14, $0xb8;
	[tilespmem:$0xC000] =	vst v63  }
0x5a: {  	s1 =	simm.s32 $0x380  }
0x5b: {  	[tilespmem:s16], [sflag:$0x2] =	stream.indirect.gather [hbm4b:s0+s14], $0x80, s1, s14, $0xb8;
	[tilespmem:$0xC000] =	vst v63  }
0x5c: {  	_ =	swait.ge [sflag:s17], $0x4000  }
0x5d: {  	[sflag:s17] =	ssyncset.done $0x0  }
0x5e: {  	[sflag:s17] =	ssyncadd.s32 $0xFFFFC000  }
0x5f: {  	_ =	swait.ge [sflag:s18], $0x4000  }
0x60: {  	[sflag:s18] =	ssyncset.done $0x0  }
0x61: {  	[sflag:s18] =	ssyncadd.s32 $0xFFFFC000  }
0x62: {  	[spmem:s3] =	stream.indirect.scatter.add.f32 [tilespmem:s15], [sflag:$0x3], $0x80, s26, s14, $0xb8;
	[tilespmem:$0xC000] =	vst v63  }
0x63: {  	_ = 	snop  }
0x64: {  	[spmem:s3] =	stream.indirect.scatter.add.f32 [tilespmem:s16], [sflag:$0x4], $0x80, s28, s14, $0xb8;
	[tilespmem:$0xC000] =	vst v63  }
0x65: {  	_ =	swait.ge [sflag:s20], $0x4000  }
0x66: {  	[sflag:s20] =	ssyncset.done $0x0  }
0x67: {  	[sflag:s20] =	ssyncadd.s32 $0xFFFFC000  }
0x68: {  	_ =	swait.ge [sflag:s21], $0x4000  }
0x69: {  	s30 =	simm.s32 $0x1000;
	s31 =	smov.u32 s9;
	[sflag:s21] =	ssyncset.done $0x0  }
.LBB2_2:
0x6a: {  	p0 =	sne.s32 s30, $0x9000;
	[sflag:s21] =	ssyncadd.s32 $0xFFFFC000;
	s31 =	sadd.s32 $0x80, s31  }
0x6b: {  	[tilespmem:s13], [sflag:$0x5] =	stream.linear.gather [hbm4b:s31+s4], $0x400, $0x38;
	[tilespmem:$0xC000] =	vst v63  }
0x6c: {  	s2 =	smov.u32 s30;
	s30 =	sadd.s32 $0x1000, s30;
	_ =	swait.ge [sflag:s10], $0x400  }
0x6d: {  	[sflag:s10] =	ssyncset.done $0x0  }
0x6e: {  	s2 =	sshra.s32 s2, $0x2;
	[sflag:s10] =	ssyncadd.s32 $0xFFFFFC00  }
0x6f: {  	[tilespmem:s15], [sflag:$0x1] =	stream.indirect.gather [hbm4b:s0+s14], $0x80, s2, s14, $0xb8;
	[tilespmem:$0xC000] =	vst v63  }
0x70: {  	s1 =	sadd.s32 $0x80, s2  }
0x71: {  	[tilespmem:s16], [sflag:$0x2] =	stream.indirect.gather [hbm4b:s0+s14], $0x80, s1, s14, $0xb8;
	[tilespmem:$0xC000] =	vst v63  }
0x72: {  	_ =	swait.ge [sflag:s17], $0x4000  }
0x73: {  	[sflag:s17] =	ssyncset.done $0x0  }
0x74: {  	[sflag:s17] =	ssyncadd.s32 $0xFFFFC000  }
0x75: {  	_ =	swait.ge [sflag:s18], $0x4000  }
0x76: {  	[sflag:s18] =	ssyncset.done $0x0  }
0x77: {  	[sflag:s18] =	ssyncadd.s32 $0xFFFFC000  }
0x78: {  	[spmem:s3] =	stream.indirect.scatter.add.f32 [tilespmem:s15], [sflag:$0x3], $0x80, s13, s14, $0xb8;
	[tilespmem:$0xC000] =	vst v63  }
0x79: {  	_ = 	snop  }
0x7a: {  	[spmem:s3] =	stream.indirect.scatter.add.f32 [tilespmem:s16], [sflag:$0x4], $0x80, s19, s14, $0xb8;
	[tilespmem:$0xC000] =	vst v63  }
0x7b: {  	_ =	swait.ge [sflag:s20], $0x4000  }
0x7c: {  	[sflag:s20] =	ssyncset.done $0x0  }
0x7d: {  	[sflag:s20] =	ssyncadd.s32 $0xFFFFC000  }
0x7e: {  	_ =	swait.ge [sflag:s21], $0x4000  }
0x7f: {  	[sflag:s21] =	ssyncset.done $0x0  }
0x80: {  	s1 =	sadd.s32 $0x100, s2;
	[sflag:s21] =	ssyncadd.s32 $0xFFFFC000  }
0x81: {  	[tilespmem:s15], [sflag:$0x1] =	stream.indirect.gather [hbm4b:s0+s14], $0x80, s1, s14, $0xb8;
	[tilespmem:$0xC000] =	vst v63  }
0x82: {  	s1 =	sadd.s32 $0x180, s2  }
0x83: {  	[tilespmem:s16], [sflag:$0x2] =	stream.indirect.gather [hbm4b:s0+s14], $0x80, s1, s14, $0xb8;
	[tilespmem:$0xC000] =	vst v63  }
0x84: {  	_ =	swait.ge [sflag:s17], $0x4000  }
0x85: {  	[sflag:s17] =	ssyncset.done $0x0  }
0x86: {  	[sflag:s17] =	ssyncadd.s32 $0xFFFFC000  }
0x87: {  	_ =	swait.ge [sflag:s18], $0x4000  }
0x88: {  	[sflag:s18] =	ssyncset.done $0x0  }
0x89: {  	[sflag:s18] =	ssyncadd.s32 $0xFFFFC000  }
0x8a: {  	[spmem:s3] =	stream.indirect.scatter.add.f32 [tilespmem:s15], [sflag:$0x3], $0x80, s22, s14, $0xb8;
	[tilespmem:$0xC000] =	vst v63  }
0x8b: {  	_ = 	snop  }
0x8c: {  	[spmem:s3] =	stream.indirect.scatter.add.f32 [tilespmem:s16], [sflag:$0x4], $0x80, s23, s14, $0xb8;
	[tilespmem:$0xC000] =	vst v63  }
0x8d: {  	_ =	swait.ge [sflag:s20], $0x4000  }
0x8e: {  	[sflag:s20] =	ssyncset.done $0x0  }
0x8f: {  	[sflag:s20] =	ssyncadd.s32 $0xFFFFC000  }
0x90: {  	_ =	swait.ge [sflag:s21], $0x4000  }
0x91: {  	[sflag:s21] =	ssyncset.done $0x0  }
0x92: {  	s1 =	sadd.s32 $0x200, s2;
	[sflag:s21] =	ssyncadd.s32 $0xFFFFC000  }
0x93: {  	[tilespmem:s15], [sflag:$0x1] =	stream.indirect.gather [hbm4b:s0+s14], $0x80, s1, s14, $0xb8;
	[tilespmem:$0xC000] =	vst v63  }
0x94: {  	s1 =	sadd.s32 $0x280, s2  }
0x95: {  	[tilespmem:s16], [sflag:$0x2] =	stream.indirect.gather [hbm4b:s0+s14], $0x80, s1, s14, $0xb8;
	[tilespmem:$0xC000] =	vst v63  }
0x96: {  	_ =	swait.ge [sflag:s17], $0x4000  }
0x97: {  	[sflag:s17] =	ssyncset.done $0x0  }
0x98: {  	[sflag:s17] =	ssyncadd.s32 $0xFFFFC000  }
0x99: {  	_ =	swait.ge [sflag:s18], $0x4000  }
0x9a: {  	[sflag:s18] =	ssyncset.done $0x0  }
0x9b: {  	[sflag:s18] =	ssyncadd.s32 $0xFFFFC000  }
0x9c: {  	[spmem:s3] =	stream.indirect.scatter.add.f32 [tilespmem:s15], [sflag:$0x3], $0x80, s24, s14, $0xb8;
	[tilespmem:$0xC000] =	vst v63  }
0x9d: {  	_ = 	snop  }
0x9e: {  	[spmem:s3] =	stream.indirect.scatter.add.f32 [tilespmem:s16], [sflag:$0x4], $0x80, s25, s14, $0xb8;
	[tilespmem:$0xC000] =	vst v63  }
0x9f: {  	_ =	swait.ge [sflag:s20], $0x4000  }
0xa0: {  	[sflag:s20] =	ssyncset.done $0x0  }
0xa1: {  	[sflag:s20] =	ssyncadd.s32 $0xFFFFC000  }
0xa2: {  	_ =	swait.ge [sflag:s21], $0x4000  }
0xa3: {  	[sflag:s21] =	ssyncset.done $0x0  }
0xa4: {  	s1 =	sadd.s32 $0x300, s2;
	[sflag:s21] =	ssyncadd.s32 $0xFFFFC000  }
0xa5: {  	[tilespmem:s15], [sflag:$0x1] =	stream.indirect.gather [hbm4b:s0+s14], $0x80, s1, s14, $0xb8;
	[tilespmem:$0xC000] =	vst v63  }
0xa6: {  	s1 =	sadd.s32 $0x380, s2  }
0xa7: {  	[tilespmem:s16], [sflag:$0x2] =	stream.indirect.gather [hbm4b:s0+s14], $0x80, s1, s14, $0xb8;
	[tilespmem:$0xC000] =	vst v63  }
0xa8: {  	_ =	swait.ge [sflag:s17], $0x4000  }
0xa9: {  	[sflag:s17] =	ssyncset.done $0x0  }
0xaa: {  	[sflag:s17] =	ssyncadd.s32 $0xFFFFC000  }
0xab: {  	_ =	swait.ge [sflag:s18], $0x4000  }
0xac: {  	[sflag:s18] =	ssyncset.done $0x0  }
0xad: {  	[sflag:s18] =	ssyncadd.s32 $0xFFFFC000  }
0xae: {  	[spmem:s3] =	stream.indirect.scatter.add.f32 [tilespmem:s15], [sflag:$0x3], $0x80, s26, s14, $0xb8;
	[tilespmem:$0xC000] =	vst v63  }
0xaf: {  	_ = 	snop  }
0xb0: {  	[spmem:s3] =	stream.indirect.scatter.add.f32 [tilespmem:s16], [sflag:$0x4], $0x80, s28, s14, $0xb8;
	[tilespmem:$0xC000] =	vst v63  }
.Ltmp0:
0xb1: {  	_ =	swait.ge [sflag:s20], $0x4000;
	(pc) =	sbr.rel @p0 .LBB2_2-.Ltmp0, $4  }
0xb2: {  	[sflag:s20] =	ssyncset.done $0x0  }
0xb3: {  	[sflag:s20] =	ssyncadd.s32 $0xFFFFC000  }
0xb4: {  	_ =	swait.ge [sflag:s21], $0x4000  }
0xb5: {  	[sflag:s21] =	ssyncset.done $0x0  }
0xb6: {  	s29 =	sadd.s32 $0x1, s29  }
0xb7: {  	[sflag:s21] =	ssyncadd.s32 $0xFFFFC000;
	p0 =	sne.s32 s29, s8  }
.Ltmp1:
0xb8: {  	[bflag:$0x0] =	sbarrier.arrive $0xFFFF;
	(pc) =	sbr.rel @p0 .LBB2_1-.Ltmp1, $4  }
0xb9: {  	[hbm:s7], [sflag:s11] =	dma.local [spmem:s12], $0x280  }
0xba: {  	_ =	swait.ge [sflag:s10], $0x280  }
0xbb: {  	[sflag:s10] =	ssyncset.done $0x0  }
0xbc: {  	[sflag:s10] =	ssyncadd.s32 $0xFFFFFD80  }
0xbd: {  	_ =	sfence.sel $0x180000  }
0xbe: {  	[bflag:$0x0] =	sbarrier.arrive $0xFFFF  }
0xbf: {  	_ =	strace $0x90000047  }
0xc0: {  	s0 =	stileid.u32;
	[bflag:$0x2] =	sbarrier.arrive $0xFFFF  }
0xc1: {  	p0 =	sne.s32 s0, $0x0;
	s0 =	rddreg [dreg:$0x6]  }
0xc2: {  	s0 =	sadd.s32 @!p0 $0x100000, s0  }
0xc3: {  	[sflag:s0] =	ssyncadd.tile.s32 @!p0 $0x1;
	_ =	shalt  }
.Lfunc_end2:
_tile_overlayer_lowered:
.L_overlay_start_2:
0xc4: {  	(tag) =	ssettag $0x2  }
0xc5: {  	s0 =	rddreg [dreg:$0x0];
	s2 =	stileid.u32  }
0xc6: {  	s1 =	rddreg [dreg:$0x1];
	p0 =	sne.s32 s2, $0x0  }
0xc7: {  	s3 =	rddreg [dreg:$0x2];
	[bflag:$0x3] =	sbarrier.arrive $0xFFFF;
	s2 =	simm.s32 @!p0 $0x1C05  }
0xc8: {  	[timem:s3], [sflag:s2] =	dma.local @!p0 [hbm:s0], s1  }
0xc9: {  	s0 =	simm.s32 @!p0 $0x5  }
0xca: {  	_ =	swait.ge @!p0 [sflag:s0], s1  }
0xcb: {  	s1 =	ssub.s32 @!p0 $0x0, s1;
	[sflag:s0] =	ssyncset.done @!p0 $0x0  }
0xcc: {  	[sflag:s0] =	ssyncadd.s32 @!p0 s1  }
0xcd: {  	[bflag:$0x3] =	sbarrier.arrive $0xFFFF  }
0xce: {  	_ =	shalt  }

</sc_bundles>
